<compile_context>
chip_gen: v7x
topology: tpu7x:2x2x1
jax: 0.10.2.dev20260603
libtpu: 0.0.44.dev20260713+nightly
codegen_flags: <defaults>
</compile_context>

<pallas_src>
import functools

import jax
import jax.numpy as jnp
from jax import lax
from jax.experimental import pallas as pl
from jax.experimental.pallas import tpu as pltpu
from jax.experimental.pallas import tpu_sc as plsc

_NUM_CORES = 2
_NUM_SUBCORES = 16
_NUM_WORKERS = _NUM_CORES * _NUM_SUBCORES
_WB = 16
_TB = 512


def _transpose_out(flat, batch, hist, dim):
    hd = hist * dim

    def body(i_ref, o_ref):
        o_ref[...] = i_ref[...].T

    return pl.pallas_call(
        body,
        grid=(batch // _TB,),
        in_specs=[pl.BlockSpec((_TB, hd), lambda i: (i, 0))],
        out_specs=pl.BlockSpec((hd, _TB), lambda i: (0, i)),
        out_shape=jax.ShapeDtypeStruct((hd, batch), flat.dtype),
    )(flat)


def _gather(table, idx, batch, hist, dim):
    rows_per_w = batch // _NUM_WORKERS
    steps = rows_per_w // _WB
    assert steps % 2 == 0 and steps * _WB == rows_per_w
    n_idx = _WB * hist
    mesh = plsc.VectorSubcoreMesh(core_axis_name="c", subcore_axis_name="s")

    @functools.partial(
        pl.kernel,
        mesh=mesh,
        out_type=jax.ShapeDtypeStruct((batch * hist, dim), table.dtype),
        scratch_types=[
            pltpu.VMEM((_WB, hist), jnp.int32),
            pltpu.VMEM((_WB, hist), jnp.int32),
            pltpu.VMEM((n_idx, dim), jnp.float32),
            pltpu.VMEM((n_idx, dim), jnp.float32),
            pltpu.SemaphoreType.DMA,
            pltpu.SemaphoreType.DMA,
            pltpu.SemaphoreType.DMA,
            pltpu.SemaphoreType.DMA,
            pltpu.SemaphoreType.DMA,
            pltpu.SemaphoreType.DMA,
        ],
        compiler_params=pltpu.CompilerParams(use_tc_tiling_on_sc=False),
    )
    def k(table_hbm, idx_hbm, out_hbm,
          i0, i1, r0, r1, si0, si1, sg0, sg1, sw0, sw1):
        wid = lax.axis_index("s") * _NUM_CORES + lax.axis_index("c")
        base = wid * rows_per_w
        bufs = ((i0, si0, r0, sg0, sw0), (i1, si1, r1, sg1, sw1))

        pltpu.async_copy(idx_hbm.at[pl.ds(base, _WB)], i0, si0)
        pltpu.async_copy(idx_hbm.at[pl.ds(base + _WB, _WB)], i1, si1)

        @pl.loop(0, steps, step=2)
        def _(t):
            for b, (iv, si, rv, sg, sw) in enumerate(bufs):
                row = base + (t + b) * _WB
                pltpu.make_async_copy(
                    idx_hbm.at[pl.ds(row, _WB)], iv, si).wait()

                @pl.when(t + b >= 2)
                def _():
                    pltpu.make_async_copy(
                        rv, out_hbm.at[pl.ds((row - 2 * _WB) * hist, n_idx)],
                        sw).wait()

                for r in range(_WB):
                    pltpu.async_copy(
                        table_hbm.at[iv.at[r]],
                        rv.at[pl.ds(r * hist, hist)], sg)

            for b, (iv, si, rv, sg, sw) in enumerate(bufs):
                row = base + (t + b) * _WB
                for r in range(_WB):
                    pltpu.make_async_copy(
                        table_hbm.at[iv.at[r]],
                        rv.at[pl.ds(r * hist, hist)], sg).wait()

                @pl.when(t + b + 2 < steps)
                def _():
                    pltpu.async_copy(
                        idx_hbm.at[pl.ds(row + 2 * _WB, _WB)], iv, si)

                pltpu.async_copy(
                    rv, out_hbm.at[pl.ds(row * hist, n_idx)], sw)

        fbase = base * hist
        pltpu.make_async_copy(
            r0, out_hbm.at[pl.ds(fbase + (steps - 2) * n_idx, n_idx)],
            sw0).wait()
        pltpu.make_async_copy(
            r1, out_hbm.at[pl.ds(fbase + (steps - 1) * n_idx, n_idx)],
            sw1).wait()

    return k(table, idx)


def kernel(input_, weight):
    batch, hist = input_.shape
    dim = weight.shape[1]
    flat = _gather(weight, input_.astype(jnp.int32), batch, hist, dim)
    flat2 = flat.reshape(batch, hist * dim)
    outt = _transpose_out(flat2, batch, hist, dim)
    return outt.reshape(hist, dim, batch).transpose(2, 0, 1)

# --- scband reference (transcript-rebuilt; emitter-appended) ---
"""Pipeline reference for scband-frozen-embedding-52819507806218 (READ-ONLY COPY).

The authoritative reference and input builder live on the scoring server;
editing this copy changes nothing except your own understanding.
"""

import jax, jax.numpy as jnp
import numpy as np

NUM_EMBEDDINGS = 1000000
EMBEDDING_DIM = 32
BATCH = 16384
HIST_LEN = 50

def setup_inputs(seed: int = 0) -> dict:
    key = jax.random.key(seed)
    k1, k2 = jax.random.split(key)
    input_ = jax.random.randint(k1, (BATCH, HIST_LEN), 0, NUM_EMBEDDINGS, dtype=jnp.int64 if jax.config.jax_enable_x64 else jnp.int32)
    weight = jax.random.normal(k2, (NUM_EMBEDDINGS, EMBEDDING_DIM), dtype=jnp.float32) * 0.02
    return {"input_": input_, "weight": weight}

def reference(input_, weight):
    # F.embedding(input_, weight) -> gather rows of the table
    return jnp.take(weight, input_, axis=0)

if __name__ == "__main__":
    import jax
    _d = setup_inputs()
    print(jax.jit(kernel)(*tuple(_d.values())))

</pallas_src>

<mosaic_0001>
#map = affine_map<(d0, d1) -> (0, 0)>
module attributes {stable_mosaic.version = 14 : i64} {
  func.func @k(%arg0: i32, %arg1: i32, %arg2: memref<1000000x32xf32, #tpu.memory_space<hbm>>, %arg3: memref<16384x50xi32, #tpu.memory_space<hbm>>, %arg4: memref<819200x32xf32, #tpu.memory_space<hbm>>, %arg5: memref<16x50xi32, #tpu.memory_space<vmem>>, %arg6: memref<16x50xi32, #tpu.memory_space<vmem>>, %arg7: memref<800x32xf32, #tpu.memory_space<vmem>>, %arg8: memref<800x32xf32, #tpu.memory_space<vmem>>, %arg9: memref<!tpu.dma_semaphore, #tpu.memory_space<semaphore_mem>>, %arg10: memref<!tpu.dma_semaphore, #tpu.memory_space<semaphore_mem>>, %arg11: memref<!tpu.dma_semaphore, #tpu.memory_space<semaphore_mem>>, %arg12: memref<!tpu.dma_semaphore, #tpu.memory_space<semaphore_mem>>, %arg13: memref<!tpu.dma_semaphore, #tpu.memory_space<semaphore_mem>>, %arg14: memref<!tpu.dma_semaphore, #tpu.memory_space<semaphore_mem>>) attributes {dimension_semantics = [#tpu.dimension_semantics<core_parallel>, #tpu.dimension_semantics<subcore_parallel>], iteration_bounds = array<i64: 2, 16>, scalar_prefetch = 0 : i64, scratch_operands = 10 : i64, tpu.core_type = #tpu.core_type<sc_vector_subcore>, window_params = [{transform_indices = #map}, {transform_indices = #map}, {transform_indices = #map}]} {
    %mul3A = arith.constant 2 : i32
    %mul3A_0 = arith.muli %arg1, %mul3A : i32
    %add3A = arith.addi %mul3A_0, %arg0 : i32
    %mul3A_1 = arith.constant 512 : i32
    %mul3A_2 = arith.muli %add3A, %mul3A_1 : i32
    %dma_start3A = arith.constant 0 : i32
    %dma_start3A_3 = tpu.memref_slice %arg3[%mul3A_2, %dma_start3A] : memref<16384x50xi32, #tpu.memory_space<hbm>> -> memref<16x50xi32, #tpu.memory_space<hbm>>
    %dma_start3A_4 = arith.constant 0 : i32
    %dma_start3A_5 = tpu.memref_slice %arg3[%mul3A_2, %dma_start3A_4] : memref<16384x50xi32, #tpu.memory_space<hbm>> -> memref<16x50xi32, #tpu.memory_space<hbm>>
    tpu.enqueue_dma source(%dma_start3A_5 : memref<16x50xi32, #tpu.memory_space<hbm>>) target(%arg5 : memref<16x50xi32, #tpu.memory_space<vmem>>) target_semaphore(%arg9 : memref<!tpu.dma_semaphore, #tpu.memory_space<semaphore_mem>>)
    %add3A_6 = arith.constant 16 : i32
    %add3A_7 = arith.addi %mul3A_2, %add3A_6 : i32
    %dma_start3A_8 = arith.constant 0 : i32
    %dma_start3A_9 = tpu.memref_slice %arg3[%add3A_7, %dma_start3A_8] : memref<16384x50xi32, #tpu.memory_space<hbm>> -> memref<16x50xi32, #tpu.memory_space<hbm>>
    %dma_start3A_10 = arith.constant 0 : i32
    %dma_start3A_11 = tpu.memref_slice %arg3[%add3A_7, %dma_start3A_10] : memref<16384x50xi32, #tpu.memory_space<hbm>> -> memref<16x50xi32, #tpu.memory_space<hbm>>
    tpu.enqueue_dma source(%dma_start3A_11 : memref<16x50xi32, #tpu.memory_space<hbm>>) target(%arg6 : memref<16x50xi32, #tpu.memory_space<vmem>>) target_semaphore(%arg10 : memref<!tpu.dma_semaphore, #tpu.memory_space<semaphore_mem>>)
    %scan3A = arith.constant 0 : i32
    %scan3A_12 = arith.constant 16 : i32
    %scan3A_13 = arith.addi %scan3A, %scan3A_12 : i32
    %scan3A_14 = arith.constant 1 : i32
    scf.for %scan3A_29 = %scan3A to %scan3A_13 step %scan3A_14  : i32 {
      %mul3A_30 = arith.constant 2 : i32
      %mul3A_31 = arith.muli %scan3A_29, %mul3A_30 : i32
      %add3A_32 = arith.constant 0 : i32
      %add3A_33 = arith.addi %add3A_32, %mul3A_31 : i32
      %add3A_34 = arith.constant 0 : i32
      %add3A_35 = arith.addi %add3A_33, %add3A_34 : i32
      %mul3A_36 = arith.constant 16 : i32
      %mul3A_37 = arith.muli %add3A_35, %mul3A_36 : i32
      %add3A_38 = arith.addi %mul3A_2, %mul3A_37 : i32
      %dma_wait3A_39 = arith.constant 0 : i32
      %dma_wait3A_40 = tpu.memref_slice %arg3[%add3A_38, %dma_wait3A_39] : memref<16384x50xi32, #tpu.memory_space<hbm>> -> memref<16x50xi32, #tpu.memory_space<hbm>>
      %dma_wait3A_41 = arith.constant 0 : i32
      %dma_wait3A_42 = tpu.memref_slice %arg3[%add3A_38, %dma_wait3A_41] : memref<16384x50xi32, #tpu.memory_space<hbm>> -> memref<16x50xi32, #tpu.memory_space<hbm>>
      tpu.wait_dma2 semaphore(%arg9 : memref<!tpu.dma_semaphore, #tpu.memory_space<semaphore_mem>>) src(%dma_wait3A_42 : memref<16x50xi32, #tpu.memory_space<hbm>>) dst(%arg5 : memref<16x50xi32, #tpu.memory_space<vmem>>)
      %add3A_43 = arith.constant 0 : i32
      %add3A_44 = arith.addi %add3A_33, %add3A_43 : i32
      %ge3A = arith.constant 2 : i32
      %ge3A_45 = arith.cmpi sge, %add3A_44, %ge3A : i32
      %convert_element_type3A = arith.extui %ge3A_45 : i1 to i32
      %cond3A = arith.constant 0 : i32
      %cond3A_46 = arith.cmpi ne, %convert_element_type3A, %cond3A : i32
      scf.if %cond3A_46 {
        %sub3A = arith.constant 32 : i32
        %sub3A_742 = arith.subi %add3A_38, %sub3A : i32
        %mul3A_743 = arith.constant 50 : i32
        %mul3A_744 = arith.muli %sub3A_742, %mul3A_743 : i32
        %dma_wait3A_745 = arith.constant 0 : i32
        %dma_wait3A_746 = tpu.memref_slice %arg4[%mul3A_744, %dma_wait3A_745] : memref<819200x32xf32, #tpu.memory_space<hbm>> -> memref<800x32xf32, #tpu.memory_space<hbm>>
        %dma_wait3A_747 = arith.constant 0 : i32
        %dma_wait3A_748 = tpu.memref_slice %arg4[%mul3A_744, %dma_wait3A_747] : memref<819200x32xf32, #tpu.memory_space<hbm>> -> memref<800x32xf32, #tpu.memory_space<hbm>>
        tpu.wait_dma2 semaphore(%arg13 : memref<!tpu.dma_semaphore, #tpu.memory_space<semaphore_mem>>) src(%arg7 : memref<800x32xf32, #tpu.memory_space<vmem>>) dst(%dma_wait3A_748 : memref<800x32xf32, #tpu.memory_space<hbm>>)
      } else {
      }
      %dma_start3A_47 = arith.constant 0 : i32
      %dma_start3A_48 = arith.constant 0 : i32
      %dma_start3A_49 = arith.constant 0 : i32
      %dma_start3A_50 = tpu.memref_slice %arg7[%dma_start3A_48, %dma_start3A_49] : memref<800x32xf32, #tpu.memory_space<vmem>> -> memref<50x32xf32, #tpu.memory_space<vmem>>
      %dma_start3A_51 = arith.constant 0 : i32
      %dma_start3A_52 = tpu.memref_slice %arg5[%dma_start3A_47, %dma_start3A_51] : memref<16x50xi32, #tpu.memory_space<vmem>> -> memref<1x50xi32, #tpu.memory_space<vmem>>
      %dma_start3A_53 = tpu.memref_squeeze %dma_start3A_52 : memref<1x50xi32, #tpu.memory_space<vmem>> -> memref<50xi32, #tpu.memory_space<vmem>>
      %dma_start3A_54 = arith.constant 0 : i32
      %dma_start3A_55 = arith.constant 0 : i32
      %dma_start3A_56 = tpu.memref_slice %arg2[%dma_start3A_54, %dma_start3A_55] : memref<1000000x32xf32, #tpu.memory_space<hbm>> -> memref<1000000x32xf32, #tpu.memory_space<hbm>>
      tpu.enqueue_indirect_dma source(%dma_start3A_56 : memref<1000000x32xf32, #tpu.memory_space<hbm>>) target(%dma_start3A_50 : memref<50x32xf32, #tpu.memory_space<vmem>>) offsets(%dma_start3A_53 : memref<50xi32, #tpu.memory_space<vmem>>) semaphore(%arg11 : memref<!tpu.dma_semaphore, #tpu.memory_space<semaphore_mem>>)
      %dma_start3A_57 = arith.constant 1 : i32
      %dma_start3A_58 = arith.constant 50 : i32
      %dma_start3A_59 = arith.constant 0 : i32
      %dma_start3A_60 = tpu.memref_slice %arg7[%dma_start3A_58, %dma_start3A_59] : memref<800x32xf32, #tpu.memory_space<vmem>> -> memref<50x32xf32, #tpu.memory_space<vmem>>
      %dma_start3A_61 = arith.constant 0 : i32
      %dma_start3A_62 = tpu.memref_slice %arg5[%dma_start3A_57, %dma_start3A_61] : memref<16x50xi32, #tpu.memory_space<vmem>> -> memref<1x50xi32, #tpu.memory_space<vmem>>
      %dma_start3A_63 = tpu.memref_squeeze %dma_start3A_62 : memref<1x50xi32, #tpu.memory_space<vmem>> -> memref<50xi32, #tpu.memory_space<vmem>>
      %dma_start3A_64 = arith.constant 0 : i32
      %dma_start3A_65 = arith.constant 0 : i32
      %dma_start3A_66 = tpu.memref_slice %arg2[%dma_start3A_64, %dma_start3A_65] : memref<1000000x32xf32, #tpu.memory_space<hbm>> -> memref<1000000x32xf32, #tpu.memory_space<hbm>>
      tpu.enqueue_indirect_dma source(%dma_start3A_66 : memref<1000000x32xf32, #tpu.memory_space<hbm>>) target(%dma_start3A_60 : memref<50x32xf32, #tpu.memory_space<vmem>>) offsets(%dma_start3A_63 : memref<50xi32, #tpu.memory_space<vmem>>) semaphore(%arg11 : memref<!tpu.dma_semaphore, #tpu.memory_space<semaphore_mem>>)
      %dma_start3A_67 = arith.constant 2 : i32
      %dma_start3A_68 = arith.constant 100 : i32
      %dma_start3A_69 = arith.constant 0 : i32
      %dma_start3A_70 = tpu.memref_slice %arg7[%dma_start3A_68, %dma_start3A_69] : memref<800x32xf32, #tpu.memory_space<vmem>> -> memref<50x32xf32, #tpu.memory_space<vmem>>
      %dma_start3A_71 = arith.constant 0 : i32
      %dma_start3A_72 = tpu.memref_slice %arg5[%dma_start3A_67, %dma_start3A_71] : memref<16x50xi32, #tpu.memory_space<vmem>> -> memref<1x50xi32, #tpu.memory_space<vmem>>
      %dma_start3A_73 = tpu.memref_squeeze %dma_start3A_72 : memref<1x50xi32, #tpu.memory_space<vmem>> -> memref<50xi32, #tpu.memory_space<vmem>>
      %dma_start3A_74 = arith.constant 0 : i32
      %dma_start3A_75 = arith.constant 0 : i32
      %dma_start3A_76 = tpu.memref_slice %arg2[%dma_start3A_74, %dma_start3A_75] : memref<1000000x32xf32, #tpu.memory_space<hbm>> -> memref<1000000x32xf32, #tpu.memory_space<hbm>>
      tpu.enqueue_indirect_dma source(%dma_start3A_76 : memref<1000000x32xf32, #tpu.memory_space<hbm>>) target(%dma_start3A_70 : memref<50x32xf32, #tpu.memory_space<vmem>>) offsets(%dma_start3A_73 : memref<50xi32, #tpu.memory_space<vmem>>) semaphore(%arg11 : memref<!tpu.dma_semaphore, #tpu.memory_space<semaphore_mem>>)
      %dma_start3A_77 = arith.constant 3 : i32
      %dma_start3A_78 = arith.constant 150 : i32
      %dma_start3A_79 = arith.constant 0 : i32
      %dma_start3A_80 = tpu.memref_slice %arg7[%dma_start3A_78, %dma_start3A_79] : memref<800x32xf32, #tpu.memory_space<vmem>> -> memref<50x32xf32, #tpu.memory_space<vmem>>
      %dma_start3A_81 = arith.constant 0 : i32
      %dma_start3A_82 = tpu.memref_slice %arg5[%dma_start3A_77, %dma_start3A_81] : memref<16x50xi32, #tpu.memory_space<vmem>> -> memref<1x50xi32, #tpu.memory_space<vmem>>
      %dma_start3A_83 = tpu.memref_squeeze %dma_start3A_82 : memref<1x50xi32, #tpu.memory_space<vmem>> -> memref<50xi32, #tpu.memory_space<vmem>>
      %dma_start3A_84 = arith.constant 0 : i32
      %dma_start3A_85 = arith.constant 0 : i32
      %dma_start3A_86 = tpu.memref_slice %arg2[%dma_start3A_84, %dma_start3A_85] : memref<1000000x32xf32, #tpu.memory_space<hbm>> -> memref<1000000x32xf32, #tpu.memory_space<hbm>>
      tpu.enqueue_indirect_dma source(%dma_start3A_86 : memref<1000000x32xf32, #tpu.memory_space<hbm>>) target(%dma_start3A_80 : memref<50x32xf32, #tpu.memory_space<vmem>>) offsets(%dma_start3A_83 : memref<50xi32, #tpu.memory_space<vmem>>) semaphore(%arg11 : memref<!tpu.dma_semaphore, #tpu.memory_space<semaphore_mem>>)
      %dma_start3A_87 = arith.constant 4 : i32
      %dma_start3A_88 = arith.constant 200 : i32
      %dma_start3A_89 = arith.constant 0 : i32
      %dma_start3A_90 = tpu.memref_slice %arg7[%dma_start3A_88, %dma_start3A_89] : memref<800x32xf32, #tpu.memory_space<vmem>> -> memref<50x32xf32, #tpu.memory_space<vmem>>
      %dma_start3A_91 = arith.constant 0 : i32
      %dma_start3A_92 = tpu.memref_slice %arg5[%dma_start3A_87, %dma_start3A_91] : memref<16x50xi32, #tpu.memory_space<vmem>> -> memref<1x50xi32, #tpu.memory_space<vmem>>
      %dma_start3A_93 = tpu.memref_squeeze %dma_start3A_92 : memref<1x50xi32, #tpu.memory_space<vmem>> -> memref<50xi32, #tpu.memory_space<vmem>>
      %dma_start3A_94 = arith.constant 0 : i32
      %dma_start3A_95 = arith.constant 0 : i32
      %dma_start3A_96 = tpu.memref_slice %arg2[%dma_start3A_94, %dma_start3A_95] : memref<1000000x32xf32, #tpu.memory_space<hbm>> -> memref<1000000x32xf32, #tpu.memory_space<hbm>>
      tpu.enqueue_indirect_dma source(%dma_start3A_96 : memref<1000000x32xf32, #tpu.memory_space<hbm>>) target(%dma_start3A_90 : memref<50x32xf32, #tpu.memory_space<vmem>>) offsets(%dma_start3A_93 : memref<50xi32, #tpu.memory_space<vmem>>) semaphore(%arg11 : memref<!tpu.dma_semaphore, #tpu.memory_space<semaphore_mem>>)
      %dma_start3A_97 = arith.constant 5 : i32
      %dma_start3A_98 = arith.constant 250 : i32
      %dma_start3A_99 = arith.constant 0 : i32
      %dma_start3A_100 = tpu.memref_slice %arg7[%dma_start3A_98, %dma_start3A_99] : memref<800x32xf32, #tpu.memory_space<vmem>> -> memref<50x32xf32, #tpu.memory_space<vmem>>
      %dma_start3A_101 = arith.constant 0 : i32
      %dma_start3A_102 = tpu.memref_slice %arg5[%dma_start3A_97, %dma_start3A_101] : memref<16x50xi32, #tpu.memory_space<vmem>> -> memref<1x50xi32, #tpu.memory_space<vmem>>
      %dma_start3A_103 = tpu.memref_squeeze %dma_start3A_102 : memref<1x50xi32, #tpu.memory_space<vmem>> -> memref<50xi32, #tpu.memory_space<vmem>>
      %dma_start3A_104 = arith.constant 0 : i32
      %dma_start3A_105 = arith.constant 0 : i32
      %dma_start3A_106 = tpu.memref_slice %arg2[%dma_start3A_104, %dma_start3A_105] : memref<1000000x32xf32, #tpu.memory_space<hbm>> -> memref<1000000x32xf32, #tpu.memory_space<hbm>>
      tpu.enqueue_indirect_dma source(%dma_start3A_106 : memref<1000000x32xf32, #tpu.memory_space<hbm>>) target(%dma_start3A_100 : memref<50x32xf32, #tpu.memory_space<vmem>>) offsets(%dma_start3A_103 : memref<50xi32, #tpu.memory_space<vmem>>) semaphore(%arg11 : memref<!tpu.dma_semaphore, #tpu.memory_space<semaphore_mem>>)
      %dma_start3A_107 = arith.constant 6 : i32
      %dma_start3A_108 = arith.constant 300 : i32
      %dma_start3A_109 = arith.constant 0 : i32
      %dma_start3A_110 = tpu.memref_slice %arg7[%dma_start3A_108, %dma_start3A_109] : memref<800x32xf32, #tpu.memory_space<vmem>> -> memref<50x32xf32, #tpu.memory_space<vmem>>
      %dma_start3A_111 = arith.constant 0 : i32
      %dma_start3A_112 = tpu.memref_slice %arg5[%dma_start3A_107, %dma_start3A_111] : memref<16x50xi32, #tpu.memory_space<vmem>> -> memref<1x50xi32, #tpu.memory_space<vmem>>
      %dma_start3A_113 = tpu.memref_squeeze %dma_start3A_112 : memref<1x50xi32, #tpu.memory_space<vmem>> -> memref<50xi32, #tpu.memory_space<vmem>>
      %dma_start3A_114 = arith.constant 0 : i32
      %dma_start3A_115 = arith.constant 0 : i32
      %dma_start3A_116 = tpu.memref_slice %arg2[%dma_start3A_114, %dma_start3A_115] : memref<1000000x32xf32, #tpu.memory_space<hbm>> -> memref<1000000x32xf32, #tpu.memory_space<hbm>>
      tpu.enqueue_indirect_dma source(%dma_start3A_116 : memref<1000000x32xf32, #tpu.memory_space<hbm>>) target(%dma_start3A_110 : memref<50x32xf32, #tpu.memory_space<vmem>>) offsets(%dma_start3A_113 : memref<50xi32, #tpu.memory_space<vmem>>) semaphore(%arg11 : memref<!tpu.dma_semaphore, #tpu.memory_space<semaphore_mem>>)
      %dma_start3A_117 = arith.constant 7 : i32
      %dma_start3A_118 = arith.constant 350 : i32
      %dma_start3A_119 = arith.constant 0 : i32
      %dma_start3A_120 = tpu.memref_slice %arg7[%dma_start3A_118, %dma_start3A_119] : memref<800x32xf32, #tpu.memory_space<vmem>> -> memref<50x32xf32, #tpu.memory_space<vmem>>
      %dma_start3A_121 = arith.constant 0 : i32
      %dma_start3A_122 = tpu.memref_slice %arg5[%dma_start3A_117, %dma_start3A_121] : memref<16x50xi32, #tpu.memory_space<vmem>> -> memref<1x50xi32, #tpu.memory_space<vmem>>
      %dma_start3A_123 = tpu.memref_squeeze %dma_start3A_122 : memref<1x50xi32, #tpu.memory_space<vmem>> -> memref<50xi32, #tpu.memory_space<vmem>>
      %dma_start3A_124 = arith.constant 0 : i32
      %dma_start3A_125 = arith.constant 0 : i32
      %dma_start3A_126 = tpu.memref_slice %arg2[%dma_start3A_124, %dma_start3A_125] : memref<1000000x32xf32, #tpu.memory_space<hbm>> -> memref<1000000x32xf32, #tpu.memory_space<hbm>>
      tpu.enqueue_indirect_dma source(%dma_start3A_126 : memref<1000000x32xf32, #tpu.memory_space<hbm>>) target(%dma_start3A_120 : memref<50x32xf32, #tpu.memory_space<vmem>>) offsets(%dma_start3A_123 : memref<50xi32, #tpu.memory_space<vmem>>) semaphore(%arg11 : memref<!tpu.dma_semaphore, #tpu.memory_space<semaphore_mem>>)
      %dma_start3A_127 = arith.constant 8 : i32
      %dma_start3A_128 = arith.constant 400 : i32
      %dma_start3A_129 = arith.constant 0 : i32
      %dma_start3A_130 = tpu.memref_slice %arg7[%dma_start3A_128, %dma_start3A_129] : memref<800x32xf32, #tpu.memory_space<vmem>> -> memref<50x32xf32, #tpu.memory_space<vmem>>
      %dma_start3A_131 = arith.constant 0 : i32
      %dma_start3A_132 = tpu.memref_slice %arg5[%dma_start3A_127, %dma_start3A_131] : memref<16x50xi32, #tpu.memory_space<vmem>> -> memref<1x50xi32, #tpu.memory_space<vmem>>
      %dma_start3A_133 = tpu.memref_squeeze %dma_start3A_132 : memref<1x50xi32, #tpu.memory_space<vmem>> -> memref<50xi32, #tpu.memory_space<vmem>>
      %dma_start3A_134 = arith.constant 0 : i32
      %dma_start3A_135 = arith.constant 0 : i32
      %dma_start3A_136 = tpu.memref_slice %arg2[%dma_start3A_134, %dma_start3A_135] : memref<1000000x32xf32, #tpu.memory_space<hbm>> -> memref<1000000x32xf32, #tpu.memory_space<hbm>>
      tpu.enqueue_indirect_dma source(%dma_start3A_136 : memref<1000000x32xf32, #tpu.memory_space<hbm>>) target(%dma_start3A_130 : memref<50x32xf32, #tpu.memory_space<vmem>>) offsets(%dma_start3A_133 : memref<50xi32, #tpu.memory_space<vmem>>) semaphore(%arg11 : memref<!tpu.dma_semaphore, #tpu.memory_space<semaphore_mem>>)
      %dma_start3A_137 = arith.constant 9 : i32
      %dma_start3A_138 = arith.constant 450 : i32
      %dma_start3A_139 = arith.constant 0 : i32
      %dma_start3A_140 = tpu.memref_slice %arg7[%dma_start3A_138, %dma_start3A_139] : memref<800x32xf32, #tpu.memory_space<vmem>> -> memref<50x32xf32, #tpu.memory_space<vmem>>
      %dma_start3A_141 = arith.constant 0 : i32
      %dma_start3A_142 = tpu.memref_slice %arg5[%dma_start3A_137, %dma_start3A_141] : memref<16x50xi32, #tpu.memory_space<vmem>> -> memref<1x50xi32, #tpu.memory_space<vmem>>
      %dma_start3A_143 = tpu.memref_squeeze %dma_start3A_142 : memref<1x50xi32, #tpu.memory_space<vmem>> -> memref<50xi32, #tpu.memory_space<vmem>>
      %dma_start3A_144 = arith.constant 0 : i32
      %dma_start3A_145 = arith.constant 0 : i32
      %dma_start3A_146 = tpu.memref_slice %arg2[%dma_start3A_144, %dma_start3A_145] : memref<1000000x32xf32, #tpu.memory_space<hbm>> -> memref<1000000x32xf32, #tpu.memory_space<hbm>>
      tpu.enqueue_indirect_dma source(%dma_start3A_146 : memref<1000000x32xf32, #tpu.memory_space<hbm>>) target(%dma_start3A_140 : memref<50x32xf32, #tpu.memory_space<vmem>>) offsets(%dma_start3A_143 : memref<50xi32, #tpu.memory_space<vmem>>) semaphore(%arg11 : memref<!tpu.dma_semaphore, #tpu.memory_space<semaphore_mem>>)
      %dma_start3A_147 = arith.constant 10 : i32
      %dma_start3A_148 = arith.constant 500 : i32
      %dma_start3A_149 = arith.constant 0 : i32
      %dma_start3A_150 = tpu.memref_slice %arg7[%dma_start3A_148, %dma_start3A_149] : memref<800x32xf32, #tpu.memory_space<vmem>> -> memref<50x32xf32, #tpu.memory_space<vmem>>
      %dma_start3A_151 = arith.constant 0 : i32
      %dma_start3A_152 = tpu.memref_slice %arg5[%dma_start3A_147, %dma_start3A_151] : memref<16x50xi32, #tpu.memory_space<vmem>> -> memref<1x50xi32, #tpu.memory_space<vmem>>
      %dma_start3A_153 = tpu.memref_squeeze %dma_start3A_152 : memref<1x50xi32, #tpu.memory_space<vmem>> -> memref<50xi32, #tpu.memory_space<vmem>>
      %dma_start3A_154 = arith.constant 0 : i32
      %dma_start3A_155 = arith.constant 0 : i32
      %dma_start3A_156 = tpu.memref_slice %arg2[%dma_start3A_154, %dma_start3A_155] : memref<1000000x32xf32, #tpu.memory_space<hbm>> -> memref<1000000x32xf32, #tpu.memory_space<hbm>>
      tpu.enqueue_indirect_dma source(%dma_start3A_156 : memref<1000000x32xf32, #tpu.memory_space<hbm>>) target(%dma_start3A_150 : memref<50x32xf32, #tpu.memory_space<vmem>>) offsets(%dma_start3A_153 : memref<50xi32, #tpu.memory_space<vmem>>) semaphore(%arg11 : memref<!tpu.dma_semaphore, #tpu.memory_space<semaphore_mem>>)
      %dma_start3A_157 = arith.constant 11 : i32
      %dma_start3A_158 = arith.constant 550 : i32
      %dma_start3A_159 = arith.constant 0 : i32
      %dma_start3A_160 = tpu.memref_slice %arg7[%dma_start3A_158, %dma_start3A_159] : memref<800x32xf32, #tpu.memory_space<vmem>> -> memref<50x32xf32, #tpu.memory_space<vmem>>
      %dma_start3A_161 = arith.constant 0 : i32
      %dma_start3A_162 = tpu.memref_slice %arg5[%dma_start3A_157, %dma_start3A_161] : memref<16x50xi32, #tpu.memory_space<vmem>> -> memref<1x50xi32, #tpu.memory_space<vmem>>
      %dma_start3A_163 = tpu.memref_squeeze %dma_start3A_162 : memref<1x50xi32, #tpu.memory_space<vmem>> -> memref<50xi32, #tpu.memory_space<vmem>>
      %dma_start3A_164 = arith.constant 0 : i32
      %dma_start3A_165 = arith.constant 0 : i32
      %dma_start3A_166 = tpu.memref_slice %arg2[%dma_start3A_164, %dma_start3A_165] : memref<1000000x32xf32, #tpu.memory_space<hbm>> -> memref<1000000x32xf32, #tpu.memory_space<hbm>>
      tpu.enqueue_indirect_dma source(%dma_start3A_166 : memref<1000000x32xf32, #tpu.memory_space<hbm>>) target(%dma_start3A_160 : memref<50x32xf32, #tpu.memory_space<vmem>>) offsets(%dma_start3A_163 : memref<50xi32, #tpu.memory_space<vmem>>) semaphore(%arg11 : memref<!tpu.dma_semaphore, #tpu.memory_space<semaphore_mem>>)
      %dma_start3A_167 = arith.constant 12 : i32
      %dma_start3A_168 = arith.constant 600 : i32
      %dma_start3A_169 = arith.constant 0 : i32
      %dma_start3A_170 = tpu.memref_slice %arg7[%dma_start3A_168, %dma_start3A_169] : memref<800x32xf32, #tpu.memory_space<vmem>> -> memref<50x32xf32, #tpu.memory_space<vmem>>
      %dma_start3A_171 = arith.constant 0 : i32
      %dma_start3A_172 = tpu.memref_slice %arg5[%dma_start3A_167, %dma_start3A_171] : memref<16x50xi32, #tpu.memory_space<vmem>> -> memref<1x50xi32, #tpu.memory_space<vmem>>
      %dma_start3A_173 = tpu.memref_squeeze %dma_start3A_172 : memref<1x50xi32, #tpu.memory_space<vmem>> -> memref<50xi32, #tpu.memory_space<vmem>>
      %dma_start3A_174 = arith.constant 0 : i32
      %dma_start3A_175 = arith.constant 0 : i32
      %dma_start3A_176 = tpu.memref_slice %arg2[%dma_start3A_174, %dma_start3A_175] : memref<1000000x32xf32, #tpu.memory_space<hbm>> -> memref<1000000x32xf32, #tpu.memory_space<hbm>>
      tpu.enqueue_indirect_dma source(%dma_start3A_176 : memref<1000000x32xf32, #tpu.memory_space<hbm>>) target(%dma_start3A_170 : memref<50x32xf32, #tpu.memory_space<vmem>>) offsets(%dma_start3A_173 : memref<50xi32, #tpu.memory_space<vmem>>) semaphore(%arg11 : memref<!tpu.dma_semaphore, #tpu.memory_space<semaphore_mem>>)
      %dma_start3A_177 = arith.constant 13 : i32
      %dma_start3A_178 = arith.constant 650 : i32
      %dma_start3A_179 = arith.constant 0 : i32
      %dma_start3A_180 = tpu.memref_slice %arg7[%dma_start3A_178, %dma_start3A_179] : memref<800x32xf32, #tpu.memory_space<vmem>> -> memref<50x32xf32, #tpu.memory_space<vmem>>
      %dma_start3A_181 = arith.constant 0 : i32
      %dma_start3A_182 = tpu.memref_slice %arg5[%dma_start3A_177, %dma_start3A_181] : memref<16x50xi32, #tpu.memory_space<vmem>> -> memref<1x50xi32, #tpu.memory_space<vmem>>
      %dma_start3A_183 = tpu.memref_squeeze %dma_start3A_182 : memref<1x50xi32, #tpu.memory_space<vmem>> -> memref<50xi32, #tpu.memory_space<vmem>>
      %dma_start3A_184 = arith.constant 0 : i32
      %dma_start3A_185 = arith.constant 0 : i32
      %dma_start3A_186 = tpu.memref_slice %arg2[%dma_start3A_184, %dma_start3A_185] : memref<1000000x32xf32, #tpu.memory_space<hbm>> -> memref<1000000x32xf32, #tpu.memory_space<hbm>>
      tpu.enqueue_indirect_dma source(%dma_start3A_186 : memref<1000000x32xf32, #tpu.memory_space<hbm>>) target(%dma_start3A_180 : memref<50x32xf32, #tpu.memory_space<vmem>>) offsets(%dma_start3A_183 : memref<50xi32, #tpu.memory_space<vmem>>) semaphore(%arg11 : memref<!tpu.dma_semaphore, #tpu.memory_space<semaphore_mem>>)
      %dma_start3A_187 = arith.constant 14 : i32
      %dma_start3A_188 = arith.constant 700 : i32
      %dma_start3A_189 = arith.constant 0 : i32
      %dma_start3A_190 = tpu.memref_slice %arg7[%dma_start3A_188, %dma_start3A_189] : memref<800x32xf32, #tpu.memory_space<vmem>> -> memref<50x32xf32, #tpu.memory_space<vmem>>
      %dma_start3A_191 = arith.constant 0 : i32
      %dma_start3A_192 = tpu.memref_slice %arg5[%dma_start3A_187, %dma_start3A_191] : memref<16x50xi32, #tpu.memory_space<vmem>> -> memref<1x50xi32, #tpu.memory_space<vmem>>
      %dma_start3A_193 = tpu.memref_squeeze %dma_start3A_192 : memref<1x50xi32, #tpu.memory_space<vmem>> -> memref<50xi32, #tpu.memory_space<vmem>>
      %dma_start3A_194 = arith.constant 0 : i32
      %dma_start3A_195 = arith.constant 0 : i32
      %dma_start3A_196 = tpu.memref_slice %arg2[%dma_start3A_194, %dma_start3A_195] : memref<1000000x32xf32, #tpu.memory_space<hbm>> -> memref<1000000x32xf32, #tpu.memory_space<hbm>>
      tpu.enqueue_indirect_dma source(%dma_start3A_196 : memref<1000000x32xf32, #tpu.memory_space<hbm>>) target(%dma_start3A_190 : memref<50x32xf32, #tpu.memory_space<vmem>>) offsets(%dma_start3A_193 : memref<50xi32, #tpu.memory_space<vmem>>) semaphore(%arg11 : memref<!tpu.dma_semaphore, #tpu.memory_space<semaphore_mem>>)
      %dma_start3A_197 = arith.constant 15 : i32
      %dma_start3A_198 = arith.constant 750 : i32
      %dma_start3A_199 = arith.constant 0 : i32
      %dma_start3A_200 = tpu.memref_slice %arg7[%dma_start3A_198, %dma_start3A_199] : memref<800x32xf32, #tpu.memory_space<vmem>> -> memref<50x32xf32, #tpu.memory_space<vmem>>
      %dma_start3A_201 = arith.constant 0 : i32
      %dma_start3A_202 = tpu.memref_slice %arg5[%dma_start3A_197, %dma_start3A_201] : memref<16x50xi32, #tpu.memory_space<vmem>> -> memref<1x50xi32, #tpu.memory_space<vmem>>
      %dma_start3A_203 = tpu.memref_squeeze %dma_start3A_202 : memref<1x50xi32, #tpu.memory_space<vmem>> -> memref<50xi32, #tpu.memory_space<vmem>>
      %dma_start3A_204 = arith.constant 0 : i32
      %dma_start3A_205 = arith.constant 0 : i32
      %dma_start3A_206 = tpu.memref_slice %arg2[%dma_start3A_204, %dma_start3A_205] : memref<1000000x32xf32, #tpu.memory_space<hbm>> -> memref<1000000x32xf32, #tpu.memory_space<hbm>>
      tpu.enqueue_indirect_dma source(%dma_start3A_206 : memref<1000000x32xf32, #tpu.memory_space<hbm>>) target(%dma_start3A_200 : memref<50x32xf32, #tpu.memory_space<vmem>>) offsets(%dma_start3A_203 : memref<50xi32, #tpu.memory_space<vmem>>) semaphore(%arg11 : memref<!tpu.dma_semaphore, #tpu.memory_space<semaphore_mem>>)
      %add3A_207 = arith.constant 1 : i32
      %add3A_208 = arith.addi %add3A_33, %add3A_207 : i32
      %mul3A_209 = arith.constant 16 : i32
      %mul3A_210 = arith.muli %add3A_208, %mul3A_209 : i32
      %add3A_211 = arith.addi %mul3A_2, %mul3A_210 : i32
      %dma_wait3A_212 = arith.constant 0 : i32
      %dma_wait3A_213 = tpu.memref_slice %arg3[%add3A_211, %dma_wait3A_212] : memref<16384x50xi32, #tpu.memory_space<hbm>> -> memref<16x50xi32, #tpu.memory_space<hbm>>
      %dma_wait3A_214 = arith.constant 0 : i32
      %dma_wait3A_215 = tpu.memref_slice %arg3[%add3A_211, %dma_wait3A_214] : memref<16384x50xi32, #tpu.memory_space<hbm>> -> memref<16x50xi32, #tpu.memory_space<hbm>>
      tpu.wait_dma2 semaphore(%arg10 : memref<!tpu.dma_semaphore, #tpu.memory_space<semaphore_mem>>) src(%dma_wait3A_215 : memref<16x50xi32, #tpu.memory_space<hbm>>) dst(%arg6 : memref<16x50xi32, #tpu.memory_space<vmem>>)
      %add3A_216 = arith.constant 1 : i32
      %add3A_217 = arith.addi %add3A_33, %add3A_216 : i32
      %ge3A_218 = arith.constant 2 : i32
      %ge3A_219 = arith.cmpi sge, %add3A_217, %ge3A_218 : i32
      %convert_element_type3A_220 = arith.extui %ge3A_219 : i1 to i32
      %cond3A_221 = arith.constant 0 : i32
      %cond3A_222 = arith.cmpi ne, %convert_element_type3A_220, %cond3A_221 : i32
      scf.if %cond3A_222 {
        %sub3A = arith.constant 32 : i32
        %sub3A_742 = arith.subi %add3A_211, %sub3A : i32
        %mul3A_743 = arith.constant 50 : i32
        %mul3A_744 = arith.muli %sub3A_742, %mul3A_743 : i32
        %dma_wait3A_745 = arith.constant 0 : i32
        %dma_wait3A_746 = tpu.memref_slice %arg4[%mul3A_744, %dma_wait3A_745] : memref<819200x32xf32, #tpu.memory_space<hbm>> -> memref<800x32xf32, #tpu.memory_space<hbm>>
        %dma_wait3A_747 = arith.constant 0 : i32
        %dma_wait3A_748 = tpu.memref_slice %arg4[%mul3A_744, %dma_wait3A_747] : memref<819200x32xf32, #tpu.memory_space<hbm>> -> memref<800x32xf32, #tpu.memory_space<hbm>>
        tpu.wait_dma2 semaphore(%arg14 : memref<!tpu.dma_semaphore, #tpu.memory_space<semaphore_mem>>) src(%arg8 : memref<800x32xf32, #tpu.memory_space<vmem>>) dst(%dma_wait3A_748 : memref<800x32xf32, #tpu.memory_space<hbm>>)
      } else {
      }
      %dma_start3A_223 = arith.constant 0 : i32
      %dma_start3A_224 = arith.constant 0 : i32
      %dma_start3A_225 = arith.constant 0 : i32
      %dma_start3A_226 = tpu.memref_slice %arg8[%dma_start3A_224, %dma_start3A_225] : memref<800x32xf32, #tpu.memory_space<vmem>> -> memref<50x32xf32, #tpu.memory_space<vmem>>
      %dma_start3A_227 = arith.constant 0 : i32
      %dma_start3A_228 = tpu.memref_slice %arg6[%dma_start3A_223, %dma_start3A_227] : memref<16x50xi32, #tpu.memory_space<vmem>> -> memref<1x50xi32, #tpu.memory_space<vmem>>
      %dma_start3A_229 = tpu.memref_squeeze %dma_start3A_228 : memref<1x50xi32, #tpu.memory_space<vmem>> -> memref<50xi32, #tpu.memory_space<vmem>>
      %dma_start3A_230 = arith.constant 0 : i32
      %dma_start3A_231 = arith.constant 0 : i32
      %dma_start3A_232 = tpu.memref_slice %arg2[%dma_start3A_230, %dma_start3A_231] : memref<1000000x32xf32, #tpu.memory_space<hbm>> -> memref<1000000x32xf32, #tpu.memory_space<hbm>>
      tpu.enqueue_indirect_dma source(%dma_start3A_232 : memref<1000000x32xf32, #tpu.memory_space<hbm>>) target(%dma_start3A_226 : memref<50x32xf32, #tpu.memory_space<vmem>>) offsets(%dma_start3A_229 : memref<50xi32, #tpu.memory_space<vmem>>) semaphore(%arg12 : memref<!tpu.dma_semaphore, #tpu.memory_space<semaphore_mem>>)
      %dma_start3A_233 = arith.constant 1 : i32
      %dma_start3A_234 = arith.constant 50 : i32
      %dma_start3A_235 = arith.constant 0 : i32
      %dma_start3A_236 = tpu.memref_slice %arg8[%dma_start3A_234, %dma_start3A_235] : memref<800x32xf32, #tpu.memory_space<vmem>> -> memref<50x32xf32, #tpu.memory_space<vmem>>
      %dma_start3A_237 = arith.constant 0 : i32
      %dma_start3A_238 = tpu.memref_slice %arg6[%dma_start3A_233, %dma_start3A_237] : memref<16x50xi32, #tpu.memory_space<vmem>> -> memref<1x50xi32, #tpu.memory_space<vmem>>
      %dma_start3A_239 = tpu.memref_squeeze %dma_start3A_238 : memref<1x50xi32, #tpu.memory_space<vmem>> -> memref<50xi32, #tpu.memory_space<vmem>>
      %dma_start3A_240 = arith.constant 0 : i32
      %dma_start3A_241 = arith.constant 0 : i32
      %dma_start3A_242 = tpu.memref_slice %arg2[%dma_start3A_240, %dma_start3A_241] : memref<1000000x32xf32, #tpu.memory_space<hbm>> -> memref<1000000x32xf32, #tpu.memory_space<hbm>>
      tpu.enqueue_indirect_dma source(%dma_start3A_242 : memref<1000000x32xf32, #tpu.memory_space<hbm>>) target(%dma_start3A_236 : memref<50x32xf32, #tpu.memory_space<vmem>>) offsets(%dma_start3A_239 : memref<50xi32, #tpu.memory_space<vmem>>) semaphore(%arg12 : memref<!tpu.dma_semaphore, #tpu.memory_space<semaphore_mem>>)
      %dma_start3A_243 = arith.constant 2 : i32
      %dma_start3A_244 = arith.constant 100 : i32
      %dma_start3A_245 = arith.constant 0 : i32
      %dma_start3A_246 = tpu.memref_slice %arg8[%dma_start3A_244, %dma_start3A_245] : memref<800x32xf32, #tpu.memory_space<vmem>> -> memref<50x32xf32, #tpu.memory_space<vmem>>
      %dma_start3A_247 = arith.constant 0 : i32
      %dma_start3A_248 = tpu.memref_slice %arg6[%dma_start3A_243, %dma_start3A_247] : memref<16x50xi32, #tpu.memory_space<vmem>> -> memref<1x50xi32, #tpu.memory_space<vmem>>
      %dma_start3A_249 = tpu.memref_squeeze %dma_start3A_248 : memref<1x50xi32, #tpu.memory_space<vmem>> -> memref<50xi32, #tpu.memory_space<vmem>>
      %dma_start3A_250 = arith.constant 0 : i32
      %dma_start3A_251 = arith.constant 0 : i32
      %dma_start3A_252 = tpu.memref_slice %arg2[%dma_start3A_250, %dma_start3A_251] : memref<1000000x32xf32, #tpu.memory_space<hbm>> -> memref<1000000x32xf32, #tpu.memory_space<hbm>>
      tpu.enqueue_indirect_dma source(%dma_start3A_252 : memref<1000000x32xf32, #tpu.memory_space<hbm>>) target(%dma_start3A_246 : memref<50x32xf32, #tpu.memory_space<vmem>>) offsets(%dma_start3A_249 : memref<50xi32, #tpu.memory_space<vmem>>) semaphore(%arg12 : memref<!tpu.dma_semaphore, #tpu.memory_space<semaphore_mem>>)
      %dma_start3A_253 = arith.constant 3 : i32
      %dma_start3A_254 = arith.constant 150 : i32
      %dma_start3A_255 = arith.constant 0 : i32
      %dma_start3A_256 = tpu.memref_slice %arg8[%dma_start3A_254, %dma_start3A_255] : memref<800x32xf32, #tpu.memory_space<vmem>> -> memref<50x32xf32, #tpu.memory_space<vmem>>
      %dma_start3A_257 = arith.constant 0 : i32
      %dma_start3A_258 = tpu.memref_slice %arg6[%dma_start3A_253, %dma_start3A_257] : memref<16x50xi32, #tpu.memory_space<vmem>> -> memref<1x50xi32, #tpu.memory_space<vmem>>
      %dma_start3A_259 = tpu.memref_squeeze %dma_start3A_258 : memref<1x50xi32, #tpu.memory_space<vmem>> -> memref<50xi32, #tpu.memory_space<vmem>>
      %dma_start3A_260 = arith.constant 0 : i32
      %dma_start3A_261 = arith.constant 0 : i32
      %dma_start3A_262 = tpu.memref_slice %arg2[%dma_start3A_260, %dma_start3A_261] : memref<1000000x32xf32, #tpu.memory_space<hbm>> -> memref<1000000x32xf32, #tpu.memory_space<hbm>>
      tpu.enqueue_indirect_dma source(%dma_start3A_262 : memref<1000000x32xf32, #tpu.memory_space<hbm>>) target(%dma_start3A_256 : memref<50x32xf32, #tpu.memory_space<vmem>>) offsets(%dma_start3A_259 : memref<50xi32, #tpu.memory_space<vmem>>) semaphore(%arg12 : memref<!tpu.dma_semaphore, #tpu.memory_space<semaphore_mem>>)
      %dma_start3A_263 = arith.constant 4 : i32
      %dma_start3A_264 = arith.constant 200 : i32
      %dma_start3A_265 = arith.constant 0 : i32
      %dma_start3A_266 = tpu.memref_slice %arg8[%dma_start3A_264, %dma_start3A_265] : memref<800x32xf32, #tpu.memory_space<vmem>> -> memref<50x32xf32, #tpu.memory_space<vmem>>
      %dma_start3A_267 = arith.constant 0 : i32
      %dma_start3A_268 = tpu.memref_slice %arg6[%dma_start3A_263, %dma_start3A_267] : memref<16x50xi32, #tpu.memory_space<vmem>> -> memref<1x50xi32, #tpu.memory_space<vmem>>
      %dma_start3A_269 = tpu.memref_squeeze %dma_start3A_268 : memref<1x50xi32, #tpu.memory_space<vmem>> -> memref<50xi32, #tpu.memory_space<vmem>>
      %dma_start3A_270 = arith.constant 0 : i32
      %dma_start3A_271 = arith.constant 0 : i32
      %dma_start3A_272 = tpu.memref_slice %arg2[%dma_start3A_270, %dma_start3A_271] : memref<1000000x32xf32, #tpu.memory_space<hbm>> -> memref<1000000x32xf32, #tpu.memory_space<hbm>>
      tpu.enqueue_indirect_dma source(%dma_start3A_272 : memref<1000000x32xf32, #tpu.memory_space<hbm>>) target(%dma_start3A_266 : memref<50x32xf32, #tpu.memory_space<vmem>>) offsets(%dma_start3A_269 : memref<50xi32, #tpu.memory_space<vmem>>) semaphore(%arg12 : memref<!tpu.dma_semaphore, #tpu.memory_space<semaphore_mem>>)
      %dma_start3A_273 = arith.constant 5 : i32
      %dma_start3A_274 = arith.constant 250 : i32
      %dma_start3A_275 = arith.constant 0 : i32
      %dma_start3A_276 = tpu.memref_slice %arg8[%dma_start3A_274, %dma_start3A_275] : memref<800x32xf32, #tpu.memory_space<vmem>> -> memref<50x32xf32, #tpu.memory_space<vmem>>
      %dma_start3A_277 = arith.constant 0 : i32
      %dma_start3A_278 = tpu.memref_slice %arg6[%dma_start3A_273, %dma_start3A_277] : memref<16x50xi32, #tpu.memory_space<vmem>> -> memref<1x50xi32, #tpu.memory_space<vmem>>
      %dma_start3A_279 = tpu.memref_squeeze %dma_start3A_278 : memref<1x50xi32, #tpu.memory_space<vmem>> -> memref<50xi32, #tpu.memory_space<vmem>>
      %dma_start3A_280 = arith.constant 0 : i32
      %dma_start3A_281 = arith.constant 0 : i32
      %dma_start3A_282 = tpu.memref_slice %arg2[%dma_start3A_280, %dma_start3A_281] : memref<1000000x32xf32, #tpu.memory_space<hbm>> -> memref<1000000x32xf32, #tpu.memory_space<hbm>>
      tpu.enqueue_indirect_dma source(%dma_start3A_282 : memref<1000000x32xf32, #tpu.memory_space<hbm>>) target(%dma_start3A_276 : memref<50x32xf32, #tpu.memory_space<vmem>>) offsets(%dma_start3A_279 : memref<50xi32, #tpu.memory_space<vmem>>) semaphore(%arg12 : memref<!tpu.dma_semaphore, #tpu.memory_space<semaphore_mem>>)
      %dma_start3A_283 = arith.constant 6 : i32
      %dma_start3A_284 = arith.constant 300 : i32
      %dma_start3A_285 = arith.constant 0 : i32
      %dma_start3A_286 = tpu.memref_slice %arg8[%dma_start3A_284, %dma_start3A_285] : memref<800x32xf32, #tpu.memory_space<vmem>> -> memref<50x32xf32, #tpu.memory_space<vmem>>
      %dma_start3A_287 = arith.constant 0 : i32
      %dma_start3A_288 = tpu.memref_slice %arg6[%dma_start3A_283, %dma_start3A_287] : memref<16x50xi32, #tpu.memory_space<vmem>> -> memref<1x50xi32, #tpu.memory_space<vmem>>
      %dma_start3A_289 = tpu.memref_squeeze %dma_start3A_288 : memref<1x50xi32, #tpu.memory_space<vmem>> -> memref<50xi32, #tpu.memory_space<vmem>>
      %dma_start3A_290 = arith.constant 0 : i32
      %dma_start3A_291 = arith.constant 0 : i32
      %dma_start3A_292 = tpu.memref_slice %arg2[%dma_start3A_290, %dma_start3A_291] : memref<1000000x32xf32, #tpu.memory_space<hbm>> -> memref<1000000x32xf32, #tpu.memory_space<hbm>>
      tpu.enqueue_indirect_dma source(%dma_start3A_292 : memref<1000000x32xf32, #tpu.memory_space<hbm>>) target(%dma_start3A_286 : memref<50x32xf32, #tpu.memory_space<vmem>>) offsets(%dma_start3A_289 : memref<50xi32, #tpu.memory_space<vmem>>) semaphore(%arg12 : memref<!tpu.dma_semaphore, #tpu.memory_space<semaphore_mem>>)
      %dma_start3A_293 = arith.constant 7 : i32
      %dma_start3A_294 = arith.constant 350 : i32
      %dma_start3A_295 = arith.constant 0 : i32
      %dma_start3A_296 = tpu.memref_slice %arg8[%dma_start3A_294, %dma_start3A_295] : memref<800x32xf32, #tpu.memory_space<vmem>> -> memref<50x32xf32, #tpu.memory_space<vmem>>
      %dma_start3A_297 = arith.constant 0 : i32
      %dma_start3A_298 = tpu.memref_slice %arg6[%dma_start3A_293, %dma_start3A_297] : memref<16x50xi32, #tpu.memory_space<vmem>> -> memref<1x50xi32, #tpu.memory_space<vmem>>
      %dma_start3A_299 = tpu.memref_squeeze %dma_start3A_298 : memref<1x50xi32, #tpu.memory_space<vmem>> -> memref<50xi32, #tpu.memory_space<vmem>>
      %dma_start3A_300 = arith.constant 0 : i32
      %dma_start3A_301 = arith.constant 0 : i32
      %dma_start3A_302 = tpu.memref_slice %arg2[%dma_start3A_300, %dma_start3A_301] : memref<1000000x32xf32, #tpu.memory_space<hbm>> -> memref<1000000x32xf32, #tpu.memory_space<hbm>>
      tpu.enqueue_indirect_dma source(%dma_start3A_302 : memref<1000000x32xf32, #tpu.memory_space<hbm>>) target(%dma_start3A_296 : memref<50x32xf32, #tpu.memory_space<vmem>>) offsets(%dma_start3A_299 : memref<50xi32, #tpu.memory_space<vmem>>) semaphore(%arg12 : memref<!tpu.dma_semaphore, #tpu.memory_space<semaphore_mem>>)
      %dma_start3A_303 = arith.constant 8 : i32
      %dma_start3A_304 = arith.constant 400 : i32
      %dma_start3A_305 = arith.constant 0 : i32
      %dma_start3A_306 = tpu.memref_slice %arg8[%dma_start3A_304, %dma_start3A_305] : memref<800x32xf32, #tpu.memory_space<vmem>> -> memref<50x32xf32, #tpu.memory_space<vmem>>
      %dma_start3A_307 = arith.constant 0 : i32
      %dma_start3A_308 = tpu.memref_slice %arg6[%dma_start3A_303, %dma_start3A_307] : memref<16x50xi32, #tpu.memory_space<vmem>> -> memref<1x50xi32, #tpu.memory_space<vmem>>
      %dma_start3A_309 = tpu.memref_squeeze %dma_start3A_308 : memref<1x50xi32, #tpu.memory_space<vmem>> -> memref<50xi32, #tpu.memory_space<vmem>>
      %dma_start3A_310 = arith.constant 0 : i32
      %dma_start3A_311 = arith.constant 0 : i32
      %dma_start3A_312 = tpu.memref_slice %arg2[%dma_start3A_310, %dma_start3A_311] : memref<1000000x32xf32, #tpu.memory_space<hbm>> -> memref<1000000x32xf32, #tpu.memory_space<hbm>>
      tpu.enqueue_indirect_dma source(%dma_start3A_312 : memref<1000000x32xf32, #tpu.memory_space<hbm>>) target(%dma_start3A_306 : memref<50x32xf32, #tpu.memory_space<vmem>>) offsets(%dma_start3A_309 : memref<50xi32, #tpu.memory_space<vmem>>) semaphore(%arg12 : memref<!tpu.dma_semaphore, #tpu.memory_space<semaphore_mem>>)
      %dma_start3A_313 = arith.constant 9 : i32
      %dma_start3A_314 = arith.constant 450 : i32
      %dma_start3A_315 = arith.constant 0 : i32
      %dma_start3A_316 = tpu.memref_slice %arg8[%dma_start3A_314, %dma_start3A_315] : memref<800x32xf32, #tpu.memory_space<vmem>> -> memref<50x32xf32, #tpu.memory_space<vmem>>
      %dma_start3A_317 = arith.constant 0 : i32
      %dma_start3A_318 = tpu.memref_slice %arg6[%dma_start3A_313, %dma_start3A_317] : memref<16x50xi32, #tpu.memory_space<vmem>> -> memref<1x50xi32, #tpu.memory_space<vmem>>
      %dma_start3A_319 = tpu.memref_squeeze %dma_start3A_318 : memref<1x50xi32, #tpu.memory_space<vmem>> -> memref<50xi32, #tpu.memory_space<vmem>>
      %dma_start3A_320 = arith.constant 0 : i32
      %dma_start3A_321 = arith.constant 0 : i32
      %dma_start3A_322 = tpu.memref_slice %arg2[%dma_start3A_320, %dma_start3A_321] : memref<1000000x32xf32, #tpu.memory_space<hbm>> -> memref<1000000x32xf32, #tpu.memory_space<hbm>>
      tpu.enqueue_indirect_dma source(%dma_start3A_322 : memref<1000000x32xf32, #tpu.memory_space<hbm>>) target(%dma_start3A_316 : memref<50x32xf32, #tpu.memory_space<vmem>>) offsets(%dma_start3A_319 : memref<50xi32, #tpu.memory_space<vmem>>) semaphore(%arg12 : memref<!tpu.dma_semaphore, #tpu.memory_space<semaphore_mem>>)
      %dma_start3A_323 = arith.constant 10 : i32
      %dma_start3A_324 = arith.constant 500 : i32
      %dma_start3A_325 = arith.constant 0 : i32
      %dma_start3A_326 = tpu.memref_slice %arg8[%dma_start3A_324, %dma_start3A_325] : memref<800x32xf32, #tpu.memory_space<vmem>> -> memref<50x32xf32, #tpu.memory_space<vmem>>
      %dma_start3A_327 = arith.constant 0 : i32
      %dma_start3A_328 = tpu.memref_slice %arg6[%dma_start3A_323, %dma_start3A_327] : memref<16x50xi32, #tpu.memory_space<vmem>> -> memref<1x50xi32, #tpu.memory_space<vmem>>
      %dma_start3A_329 = tpu.memref_squeeze %dma_start3A_328 : memref<1x50xi32, #tpu.memory_space<vmem>> -> memref<50xi32, #tpu.memory_space<vmem>>
      %dma_start3A_330 = arith.constant 0 : i32
      %dma_start3A_331 = arith.constant 0 : i32
      %dma_start3A_332 = tpu.memref_slice %arg2[%dma_start3A_330, %dma_start3A_331] : memref<1000000x32xf32, #tpu.memory_space<hbm>> -> memref<1000000x32xf32, #tpu.memory_space<hbm>>
      tpu.enqueue_indirect_dma source(%dma_start3A_332 : memref<1000000x32xf32, #tpu.memory_space<hbm>>) target(%dma_start3A_326 : memref<50x32xf32, #tpu.memory_space<vmem>>) offsets(%dma_start3A_329 : memref<50xi32, #tpu.memory_space<vmem>>) semaphore(%arg12 : memref<!tpu.dma_semaphore, #tpu.memory_space<semaphore_mem>>)
      %dma_start3A_333 = arith.constant 11 : i32
      %dma_start3A_334 = arith.constant 550 : i32
      %dma_start3A_335 = arith.constant 0 : i32
      %dma_start3A_336 = tpu.memref_slice %arg8[%dma_start3A_334, %dma_start3A_335] : memref<800x32xf32, #tpu.memory_space<vmem>> -> memref<50x32xf32, #tpu.memory_space<vmem>>
      %dma_start3A_337 = arith.constant 0 : i32
      %dma_start3A_338 = tpu.memref_slice %arg6[%dma_start3A_333, %dma_start3A_337] : memref<16x50xi32, #tpu.memory_space<vmem>> -> memref<1x50xi32, #tpu.memory_space<vmem>>
      %dma_start3A_339 = tpu.memref_squeeze %dma_start3A_338 : memref<1x50xi32, #tpu.memory_space<vmem>> -> memref<50xi32, #tpu.memory_space<vmem>>
      %dma_start3A_340 = arith.constant 0 : i32
      %dma_start3A_341 = arith.constant 0 : i32
      %dma_start3A_342 = tpu.memref_slice %arg2[%dma_start3A_340, %dma_start3A_341] : memref<1000000x32xf32, #tpu.memory_space<hbm>> -> memref<1000000x32xf32, #tpu.memory_space<hbm>>
      tpu.enqueue_indirect_dma source(%dma_start3A_342 : memref<1000000x32xf32, #tpu.memory_space<hbm>>) target(%dma_start3A_336 : memref<50x32xf32, #tpu.memory_space<vmem>>) offsets(%dma_start3A_339 : memref<50xi32, #tpu.memory_space<vmem>>) semaphore(%arg12 : memref<!tpu.dma_semaphore, #tpu.memory_space<semaphore_mem>>)
      %dma_start3A_343 = arith.constant 12 : i32
      %dma_start3A_344 = arith.constant 600 : i32
      %dma_start3A_345 = arith.constant 0 : i32
      %dma_start3A_346 = tpu.memref_slice %arg8[%dma_start3A_344, %dma_start3A_345] : memref<800x32xf32, #tpu.memory_space<vmem>> -> memref<50x32xf32, #tpu.memory_space<vmem>>
      %dma_start3A_347 = arith.constant 0 : i32
      %dma_start3A_348 = tpu.memref_slice %arg6[%dma_start3A_343, %dma_start3A_347] : memref<16x50xi32, #tpu.memory_space<vmem>> -> memref<1x50xi32, #tpu.memory_space<vmem>>
      %dma_start3A_349 = tpu.memref_squeeze %dma_start3A_348 : memref<1x50xi32, #tpu.memory_space<vmem>> -> memref<50xi32, #tpu.memory_space<vmem>>
      %dma_start3A_350 = arith.constant 0 : i32
      %dma_start3A_351 = arith.constant 0 : i32
      %dma_start3A_352 = tpu.memref_slice %arg2[%dma_start3A_350, %dma_start3A_351] : memref<1000000x32xf32, #tpu.memory_space<hbm>> -> memref<1000000x32xf32, #tpu.memory_space<hbm>>
      tpu.enqueue_indirect_dma source(%dma_start3A_352 : memref<1000000x32xf32, #tpu.memory_space<hbm>>) target(%dma_start3A_346 : memref<50x32xf32, #tpu.memory_space<vmem>>) offsets(%dma_start3A_349 : memref<50xi32, #tpu.memory_space<vmem>>) semaphore(%arg12 : memref<!tpu.dma_semaphore, #tpu.memory_space<semaphore_mem>>)
      %dma_start3A_353 = arith.constant 13 : i32
      %dma_start3A_354 = arith.constant 650 : i32
      %dma_start3A_355 = arith.constant 0 : i32
      %dma_start3A_356 = tpu.memref_slice %arg8[%dma_start3A_354, %dma_start3A_355] : memref<800x32xf32, #tpu.memory_space<vmem>> -> memref<50x32xf32, #tpu.memory_space<vmem>>
      %dma_start3A_357 = arith.constant 0 : i32
      %dma_start3A_358 = tpu.memref_slice %arg6[%dma_start3A_353, %dma_start3A_357] : memref<16x50xi32, #tpu.memory_space<vmem>> -> memref<1x50xi32, #tpu.memory_space<vmem>>
      %dma_start3A_359 = tpu.memref_squeeze %dma_start3A_358 : memref<1x50xi32, #tpu.memory_space<vmem>> -> memref<50xi32, #tpu.memory_space<vmem>>
      %dma_start3A_360 = arith.constant 0 : i32
      %dma_start3A_361 = arith.constant 0 : i32
      %dma_start3A_362 = tpu.memref_slice %arg2[%dma_start3A_360, %dma_start3A_361] : memref<1000000x32xf32, #tpu.memory_space<hbm>> -> memref<1000000x32xf32, #tpu.memory_space<hbm>>
      tpu.enqueue_indirect_dma source(%dma_start3A_362 : memref<1000000x32xf32, #tpu.memory_space<hbm>>) target(%dma_start3A_356 : memref<50x32xf32, #tpu.memory_space<vmem>>) offsets(%dma_start3A_359 : memref<50xi32, #tpu.memory_space<vmem>>) semaphore(%arg12 : memref<!tpu.dma_semaphore, #tpu.memory_space<semaphore_mem>>)
      %dma_start3A_363 = arith.constant 14 : i32
      %dma_start3A_364 = arith.constant 700 : i32
      %dma_start3A_365 = arith.constant 0 : i32
      %dma_start3A_366 = tpu.memref_slice %arg8[%dma_start3A_364, %dma_start3A_365] : memref<800x32xf32, #tpu.memory_space<vmem>> -> memref<50x32xf32, #tpu.memory_space<vmem>>
      %dma_start3A_367 = arith.constant 0 : i32
      %dma_start3A_368 = tpu.memref_slice %arg6[%dma_start3A_363, %dma_start3A_367] : memref<16x50xi32, #tpu.memory_space<vmem>> -> memref<1x50xi32, #tpu.memory_space<vmem>>
      %dma_start3A_369 = tpu.memref_squeeze %dma_start3A_368 : memref<1x50xi32, #tpu.memory_space<vmem>> -> memref<50xi32, #tpu.memory_space<vmem>>
      %dma_start3A_370 = arith.constant 0 : i32
      %dma_start3A_371 = arith.constant 0 : i32
      %dma_start3A_372 = tpu.memref_slice %arg2[%dma_start3A_370, %dma_start3A_371] : memref<1000000x32xf32, #tpu.memory_space<hbm>> -> memref<1000000x32xf32, #tpu.memory_space<hbm>>
      tpu.enqueue_indirect_dma source(%dma_start3A_372 : memref<1000000x32xf32, #tpu.memory_space<hbm>>) target(%dma_start3A_366 : memref<50x32xf32, #tpu.memory_space<vmem>>) offsets(%dma_start3A_369 : memref<50xi32, #tpu.memory_space<vmem>>) semaphore(%arg12 : memref<!tpu.dma_semaphore, #tpu.memory_space<semaphore_mem>>)
      %dma_start3A_373 = arith.constant 15 : i32
      %dma_start3A_374 = arith.constant 750 : i32
      %dma_start3A_375 = arith.constant 0 : i32
      %dma_start3A_376 = tpu.memref_slice %arg8[%dma_start3A_374, %dma_start3A_375] : memref<800x32xf32, #tpu.memory_space<vmem>> -> memref<50x32xf32, #tpu.memory_space<vmem>>
      %dma_start3A_377 = arith.constant 0 : i32
      %dma_start3A_378 = tpu.memref_slice %arg6[%dma_start3A_373, %dma_start3A_377] : memref<16x50xi32, #tpu.memory_space<vmem>> -> memref<1x50xi32, #tpu.memory_space<vmem>>
      %dma_start3A_379 = tpu.memref_squeeze %dma_start3A_378 : memref<1x50xi32, #tpu.memory_space<vmem>> -> memref<50xi32, #tpu.memory_space<vmem>>
      %dma_start3A_380 = arith.constant 0 : i32
      %dma_start3A_381 = arith.constant 0 : i32
      %dma_start3A_382 = tpu.memref_slice %arg2[%dma_start3A_380, %dma_start3A_381] : memref<1000000x32xf32, #tpu.memory_space<hbm>> -> memref<1000000x32xf32, #tpu.memory_space<hbm>>
      tpu.enqueue_indirect_dma source(%dma_start3A_382 : memref<1000000x32xf32, #tpu.memory_space<hbm>>) target(%dma_start3A_376 : memref<50x32xf32, #tpu.memory_space<vmem>>) offsets(%dma_start3A_379 : memref<50xi32, #tpu.memory_space<vmem>>) semaphore(%arg12 : memref<!tpu.dma_semaphore, #tpu.memory_space<semaphore_mem>>)
      %add3A_383 = arith.constant 0 : i32
      %add3A_384 = arith.addi %add3A_33, %add3A_383 : i32
      %mul3A_385 = arith.constant 16 : i32
      %mul3A_386 = arith.muli %add3A_384, %mul3A_385 : i32
      %add3A_387 = arith.addi %mul3A_2, %mul3A_386 : i32
      %dma_wait3A_388 = arith.constant 0 : i32
      %dma_wait3A_389 = arith.constant 0 : i32
      %dma_wait3A_390 = arith.constant 0 : i32
      %dma_wait3A_391 = tpu.memref_slice %arg7[%dma_wait3A_389, %dma_wait3A_390] : memref<800x32xf32, #tpu.memory_space<vmem>> -> memref<50x32xf32, #tpu.memory_space<vmem>>
      %dma_wait3A_392 = arith.constant 0 : i32
      %dma_wait3A_393 = tpu.memref_slice %arg5[%dma_wait3A_388, %dma_wait3A_392] : memref<16x50xi32, #tpu.memory_space<vmem>> -> memref<1x50xi32, #tpu.memory_space<vmem>>
      %dma_wait3A_394 = tpu.memref_squeeze %dma_wait3A_393 : memref<1x50xi32, #tpu.memory_space<vmem>> -> memref<50xi32, #tpu.memory_space<vmem>>
      %dma_wait3A_395 = arith.constant 0 : i32
      %dma_wait3A_396 = arith.constant 0 : i32
      %dma_wait3A_397 = tpu.memref_slice %arg2[%dma_wait3A_395, %dma_wait3A_396] : memref<1000000x32xf32, #tpu.memory_space<hbm>> -> memref<1000000x32xf32, #tpu.memory_space<hbm>>
      tpu.wait_indirect_dma semaphore(%arg11 : memref<!tpu.dma_semaphore, #tpu.memory_space<semaphore_mem>>) src(%dma_wait3A_397 : memref<1000000x32xf32, #tpu.memory_space<hbm>>) dst(%dma_wait3A_391 : memref<50x32xf32, #tpu.memory_space<vmem>>)
      %dma_wait3A_398 = arith.constant 1 : i32
      %dma_wait3A_399 = arith.constant 50 : i32
      %dma_wait3A_400 = arith.constant 0 : i32
      %dma_wait3A_401 = tpu.memref_slice %arg7[%dma_wait3A_399, %dma_wait3A_400] : memref<800x32xf32, #tpu.memory_space<vmem>> -> memref<50x32xf32, #tpu.memory_space<vmem>>
      %dma_wait3A_402 = arith.constant 0 : i32
      %dma_wait3A_403 = tpu.memref_slice %arg5[%dma_wait3A_398, %dma_wait3A_402] : memref<16x50xi32, #tpu.memory_space<vmem>> -> memref<1x50xi32, #tpu.memory_space<vmem>>
      %dma_wait3A_404 = tpu.memref_squeeze %dma_wait3A_403 : memref<1x50xi32, #tpu.memory_space<vmem>> -> memref<50xi32, #tpu.memory_space<vmem>>
      %dma_wait3A_405 = arith.constant 0 : i32
      %dma_wait3A_406 = arith.constant 0 : i32
      %dma_wait3A_407 = tpu.memref_slice %arg2[%dma_wait3A_405, %dma_wait3A_406] : memref<1000000x32xf32, #tpu.memory_space<hbm>> -> memref<1000000x32xf32, #tpu.memory_space<hbm>>
      tpu.wait_indirect_dma semaphore(%arg11 : memref<!tpu.dma_semaphore, #tpu.memory_space<semaphore_mem>>) src(%dma_wait3A_407 : memref<1000000x32xf32, #tpu.memory_space<hbm>>) dst(%dma_wait3A_401 : memref<50x32xf32, #tpu.memory_space<vmem>>)
      %dma_wait3A_408 = arith.constant 2 : i32
      %dma_wait3A_409 = arith.constant 100 : i32
      %dma_wait3A_410 = arith.constant 0 : i32
      %dma_wait3A_411 = tpu.memref_slice %arg7[%dma_wait3A_409, %dma_wait3A_410] : memref<800x32xf32, #tpu.memory_space<vmem>> -> memref<50x32xf32, #tpu.memory_space<vmem>>
      %dma_wait3A_412 = arith.constant 0 : i32
      %dma_wait3A_413 = tpu.memref_slice %arg5[%dma_wait3A_408, %dma_wait3A_412] : memref<16x50xi32, #tpu.memory_space<vmem>> -> memref<1x50xi32, #tpu.memory_space<vmem>>
      %dma_wait3A_414 = tpu.memref_squeeze %dma_wait3A_413 : memref<1x50xi32, #tpu.memory_space<vmem>> -> memref<50xi32, #tpu.memory_space<vmem>>
      %dma_wait3A_415 = arith.constant 0 : i32
      %dma_wait3A_416 = arith.constant 0 : i32
      %dma_wait3A_417 = tpu.memref_slice %arg2[%dma_wait3A_415, %dma_wait3A_416] : memref<1000000x32xf32, #tpu.memory_space<hbm>> -> memref<1000000x32xf32, #tpu.memory_space<hbm>>
      tpu.wait_indirect_dma semaphore(%arg11 : memref<!tpu.dma_semaphore, #tpu.memory_space<semaphore_mem>>) src(%dma_wait3A_417 : memref<1000000x32xf32, #tpu.memory_space<hbm>>) dst(%dma_wait3A_411 : memref<50x32xf32, #tpu.memory_space<vmem>>)
      %dma_wait3A_418 = arith.constant 3 : i32
      %dma_wait3A_419 = arith.constant 150 : i32
      %dma_wait3A_420 = arith.constant 0 : i32
      %dma_wait3A_421 = tpu.memref_slice %arg7[%dma_wait3A_419, %dma_wait3A_420] : memref<800x32xf32, #tpu.memory_space<vmem>> -> memref<50x32xf32, #tpu.memory_space<vmem>>
      %dma_wait3A_422 = arith.constant 0 : i32
      %dma_wait3A_423 = tpu.memref_slice %arg5[%dma_wait3A_418, %dma_wait3A_422] : memref<16x50xi32, #tpu.memory_space<vmem>> -> memref<1x50xi32, #tpu.memory_space<vmem>>
      %dma_wait3A_424 = tpu.memref_squeeze %dma_wait3A_423 : memref<1x50xi32, #tpu.memory_space<vmem>> -> memref<50xi32, #tpu.memory_space<vmem>>
      %dma_wait3A_425 = arith.constant 0 : i32
      %dma_wait3A_426 = arith.constant 0 : i32
      %dma_wait3A_427 = tpu.memref_slice %arg2[%dma_wait3A_425, %dma_wait3A_426] : memref<1000000x32xf32, #tpu.memory_space<hbm>> -> memref<1000000x32xf32, #tpu.memory_space<hbm>>
      tpu.wait_indirect_dma semaphore(%arg11 : memref<!tpu.dma_semaphore, #tpu.memory_space<semaphore_mem>>) src(%dma_wait3A_427 : memref<1000000x32xf32, #tpu.memory_space<hbm>>) dst(%dma_wait3A_421 : memref<50x32xf32, #tpu.memory_space<vmem>>)
      %dma_wait3A_428 = arith.constant 4 : i32
      %dma_wait3A_429 = arith.constant 200 : i32
      %dma_wait3A_430 = arith.constant 0 : i32
      %dma_wait3A_431 = tpu.memref_slice %arg7[%dma_wait3A_429, %dma_wait3A_430] : memref<800x32xf32, #tpu.memory_space<vmem>> -> memref<50x32xf32, #tpu.memory_space<vmem>>
      %dma_wait3A_432 = arith.constant 0 : i32
      %dma_wait3A_433 = tpu.memref_slice %arg5[%dma_wait3A_428, %dma_wait3A_432] : memref<16x50xi32, #tpu.memory_space<vmem>> -> memref<1x50xi32, #tpu.memory_space<vmem>>
      %dma_wait3A_434 = tpu.memref_squeeze %dma_wait3A_433 : memref<1x50xi32, #tpu.memory_space<vmem>> -> memref<50xi32, #tpu.memory_space<vmem>>
      %dma_wait3A_435 = arith.constant 0 : i32
      %dma_wait3A_436 = arith.constant 0 : i32
      %dma_wait3A_437 = tpu.memref_slice %arg2[%dma_wait3A_435, %dma_wait3A_436] : memref<1000000x32xf32, #tpu.memory_space<hbm>> -> memref<1000000x32xf32, #tpu.memory_space<hbm>>
      tpu.wait_indirect_dma semaphore(%arg11 : memref<!tpu.dma_semaphore, #tpu.memory_space<semaphore_mem>>) src(%dma_wait3A_437 : memref<1000000x32xf32, #tpu.memory_space<hbm>>) dst(%dma_wait3A_431 : memref<50x32xf32, #tpu.memory_space<vmem>>)
      %dma_wait3A_438 = arith.constant 5 : i32
      %dma_wait3A_439 = arith.constant 250 : i32
      %dma_wait3A_440 = arith.constant 0 : i32
      %dma_wait3A_441 = tpu.memref_slice %arg7[%dma_wait3A_439, %dma_wait3A_440] : memref<800x32xf32, #tpu.memory_space<vmem>> -> memref<50x32xf32, #tpu.memory_space<vmem>>
      %dma_wait3A_442 = arith.constant 0 : i32
      %dma_wait3A_443 = tpu.memref_slice %arg5[%dma_wait3A_438, %dma_wait3A_442] : memref<16x50xi32, #tpu.memory_space<vmem>> -> memref<1x50xi32, #tpu.memory_space<vmem>>
      %dma_wait3A_444 = tpu.memref_squeeze %dma_wait3A_443 : memref<1x50xi32, #tpu.memory_space<vmem>> -> memref<50xi32, #tpu.memory_space<vmem>>
      %dma_wait3A_445 = arith.constant 0 : i32
      %dma_wait3A_446 = arith.constant 0 : i32
      %dma_wait3A_447 = tpu.memref_slice %arg2[%dma_wait3A_445, %dma_wait3A_446] : memref<1000000x32xf32, #tpu.memory_space<hbm>> -> memref<1000000x32xf32, #tpu.memory_space<hbm>>
      tpu.wait_indirect_dma semaphore(%arg11 : memref<!tpu.dma_semaphore, #tpu.memory_space<semaphore_mem>>) src(%dma_wait3A_447 : memref<1000000x32xf32, #tpu.memory_space<hbm>>) dst(%dma_wait3A_441 : memref<50x32xf32, #tpu.memory_space<vmem>>)
      %dma_wait3A_448 = arith.constant 6 : i32
      %dma_wait3A_449 = arith.constant 300 : i32
      %dma_wait3A_450 = arith.constant 0 : i32
      %dma_wait3A_451 = tpu.memref_slice %arg7[%dma_wait3A_449, %dma_wait3A_450] : memref<800x32xf32, #tpu.memory_space<vmem>> -> memref<50x32xf32, #tpu.memory_space<vmem>>
      %dma_wait3A_452 = arith.constant 0 : i32
      %dma_wait3A_453 = tpu.memref_slice %arg5[%dma_wait3A_448, %dma_wait3A_452] : memref<16x50xi32, #tpu.memory_space<vmem>> -> memref<1x50xi32, #tpu.memory_space<vmem>>
      %dma_wait3A_454 = tpu.memref_squeeze %dma_wait3A_453 : memref<1x50xi32, #tpu.memory_space<vmem>> -> memref<50xi32, #tpu.memory_space<vmem>>
      %dma_wait3A_455 = arith.constant 0 : i32
      %dma_wait3A_456 = arith.constant 0 : i32
      %dma_wait3A_457 = tpu.memref_slice %arg2[%dma_wait3A_455, %dma_wait3A_456] : memref<1000000x32xf32, #tpu.memory_space<hbm>> -> memref<1000000x32xf32, #tpu.memory_space<hbm>>
      tpu.wait_indirect_dma semaphore(%arg11 : memref<!tpu.dma_semaphore, #tpu.memory_space<semaphore_mem>>) src(%dma_wait3A_457 : memref<1000000x32xf32, #tpu.memory_space<hbm>>) dst(%dma_wait3A_451 : memref<50x32xf32, #tpu.memory_space<vmem>>)
      %dma_wait3A_458 = arith.constant 7 : i32
      %dma_wait3A_459 = arith.constant 350 : i32
      %dma_wait3A_460 = arith.constant 0 : i32
      %dma_wait3A_461 = tpu.memref_slice %arg7[%dma_wait3A_459, %dma_wait3A_460] : memref<800x32xf32, #tpu.memory_space<vmem>> -> memref<50x32xf32, #tpu.memory_space<vmem>>
      %dma_wait3A_462 = arith.constant 0 : i32
      %dma_wait3A_463 = tpu.memref_slice %arg5[%dma_wait3A_458, %dma_wait3A_462] : memref<16x50xi32, #tpu.memory_space<vmem>> -> memref<1x50xi32, #tpu.memory_space<vmem>>
      %dma_wait3A_464 = tpu.memref_squeeze %dma_wait3A_463 : memref<1x50xi32, #tpu.memory_space<vmem>> -> memref<50xi32, #tpu.memory_space<vmem>>
      %dma_wait3A_465 = arith.constant 0 : i32
      %dma_wait3A_466 = arith.constant 0 : i32
      %dma_wait3A_467 = tpu.memref_slice %arg2[%dma_wait3A_465, %dma_wait3A_466] : memref<1000000x32xf32, #tpu.memory_space<hbm>> -> memref<1000000x32xf32, #tpu.memory_space<hbm>>
      tpu.wait_indirect_dma semaphore(%arg11 : memref<!tpu.dma_semaphore, #tpu.memory_space<semaphore_mem>>) src(%dma_wait3A_467 : memref<1000000x32xf32, #tpu.memory_space<hbm>>) dst(%dma_wait3A_461 : memref<50x32xf32, #tpu.memory_space<vmem>>)
      %dma_wait3A_468 = arith.constant 8 : i32
      %dma_wait3A_469 = arith.constant 400 : i32
      %dma_wait3A_470 = arith.constant 0 : i32
      %dma_wait3A_471 = tpu.memref_slice %arg7[%dma_wait3A_469, %dma_wait3A_470] : memref<800x32xf32, #tpu.memory_space<vmem>> -> memref<50x32xf32, #tpu.memory_space<vmem>>
      %dma_wait3A_472 = arith.constant 0 : i32
      %dma_wait3A_473 = tpu.memref_slice %arg5[%dma_wait3A_468, %dma_wait3A_472] : memref<16x50xi32, #tpu.memory_space<vmem>> -> memref<1x50xi32, #tpu.memory_space<vmem>>
      %dma_wait3A_474 = tpu.memref_squeeze %dma_wait3A_473 : memref<1x50xi32, #tpu.memory_space<vmem>> -> memref<50xi32, #tpu.memory_space<vmem>>
      %dma_wait3A_475 = arith.constant 0 : i32
      %dma_wait3A_476 = arith.constant 0 : i32
      %dma_wait3A_477 = tpu.memref_slice %arg2[%dma_wait3A_475, %dma_wait3A_476] : memref<1000000x32xf32, #tpu.memory_space<hbm>> -> memref<1000000x32xf32, #tpu.memory_space<hbm>>
      tpu.wait_indirect_dma semaphore(%arg11 : memref<!tpu.dma_semaphore, #tpu.memory_space<semaphore_mem>>) src(%dma_wait3A_477 : memref<1000000x32xf32, #tpu.memory_space<hbm>>) dst(%dma_wait3A_471 : memref<50x32xf32, #tpu.memory_space<vmem>>)
      %dma_wait3A_478 = arith.constant 9 : i32
      %dma_wait3A_479 = arith.constant 450 : i32
      %dma_wait3A_480 = arith.constant 0 : i32
      %dma_wait3A_481 = tpu.memref_slice %arg7[%dma_wait3A_479, %dma_wait3A_480] : memref<800x32xf32, #tpu.memory_space<vmem>> -> memref<50x32xf32, #tpu.memory_space<vmem>>
      %dma_wait3A_482 = arith.constant 0 : i32
      %dma_wait3A_483 = tpu.memref_slice %arg5[%dma_wait3A_478, %dma_wait3A_482] : memref<16x50xi32, #tpu.memory_space<vmem>> -> memref<1x50xi32, #tpu.memory_space<vmem>>
      %dma_wait3A_484 = tpu.memref_squeeze %dma_wait3A_483 : memref<1x50xi32, #tpu.memory_space<vmem>> -> memref<50xi32, #tpu.memory_space<vmem>>
      %dma_wait3A_485 = arith.constant 0 : i32
      %dma_wait3A_486 = arith.constant 0 : i32
      %dma_wait3A_487 = tpu.memref_slice %arg2[%dma_wait3A_485, %dma_wait3A_486] : memref<1000000x32xf32, #tpu.memory_space<hbm>> -> memref<1000000x32xf32, #tpu.memory_space<hbm>>
      tpu.wait_indirect_dma semaphore(%arg11 : memref<!tpu.dma_semaphore, #tpu.memory_space<semaphore_mem>>) src(%dma_wait3A_487 : memref<1000000x32xf32, #tpu.memory_space<hbm>>) dst(%dma_wait3A_481 : memref<50x32xf32, #tpu.memory_space<vmem>>)
      %dma_wait3A_488 = arith.constant 10 : i32
      %dma_wait3A_489 = arith.constant 500 : i32
      %dma_wait3A_490 = arith.constant 0 : i32
      %dma_wait3A_491 = tpu.memref_slice %arg7[%dma_wait3A_489, %dma_wait3A_490] : memref<800x32xf32, #tpu.memory_space<vmem>> -> memref<50x32xf32, #tpu.memory_space<vmem>>
      %dma_wait3A_492 = arith.constant 0 : i32
      %dma_wait3A_493 = tpu.memref_slice %arg5[%dma_wait3A_488, %dma_wait3A_492] : memref<16x50xi32, #tpu.memory_space<vmem>> -> memref<1x50xi32, #tpu.memory_space<vmem>>
      %dma_wait3A_494 = tpu.memref_squeeze %dma_wait3A_493 : memref<1x50xi32, #tpu.memory_space<vmem>> -> memref<50xi32, #tpu.memory_space<vmem>>
      %dma_wait3A_495 = arith.constant 0 : i32
      %dma_wait3A_496 = arith.constant 0 : i32
      %dma_wait3A_497 = tpu.memref_slice %arg2[%dma_wait3A_495, %dma_wait3A_496] : memref<1000000x32xf32, #tpu.memory_space<hbm>> -> memref<1000000x32xf32, #tpu.memory_space<hbm>>
      tpu.wait_indirect_dma semaphore(%arg11 : memref<!tpu.dma_semaphore, #tpu.memory_space<semaphore_mem>>) src(%dma_wait3A_497 : memref<1000000x32xf32, #tpu.memory_space<hbm>>) dst(%dma_wait3A_491 : memref<50x32xf32, #tpu.memory_space<vmem>>)
      %dma_wait3A_498 = arith.constant 11 : i32
      %dma_wait3A_499 = arith.constant 550 : i32
      %dma_wait3A_500 = arith.constant 0 : i32
      %dma_wait3A_501 = tpu.memref_slice %arg7[%dma_wait3A_499, %dma_wait3A_500] : memref<800x32xf32, #tpu.memory_space<vmem>> -> memref<50x32xf32, #tpu.memory_space<vmem>>
      %dma_wait3A_502 = arith.constant 0 : i32
      %dma_wait3A_503 = tpu.memref_slice %arg5[%dma_wait3A_498, %dma_wait3A_502] : memref<16x50xi32, #tpu.memory_space<vmem>> -> memref<1x50xi32, #tpu.memory_space<vmem>>
      %dma_wait3A_504 = tpu.memref_squeeze %dma_wait3A_503 : memref<1x50xi32, #tpu.memory_space<vmem>> -> memref<50xi32, #tpu.memory_space<vmem>>
      %dma_wait3A_505 = arith.constant 0 : i32
      %dma_wait3A_506 = arith.constant 0 : i32
      %dma_wait3A_507 = tpu.memref_slice %arg2[%dma_wait3A_505, %dma_wait3A_506] : memref<1000000x32xf32, #tpu.memory_space<hbm>> -> memref<1000000x32xf32, #tpu.memory_space<hbm>>
      tpu.wait_indirect_dma semaphore(%arg11 : memref<!tpu.dma_semaphore, #tpu.memory_space<semaphore_mem>>) src(%dma_wait3A_507 : memref<1000000x32xf32, #tpu.memory_space<hbm>>) dst(%dma_wait3A_501 : memref<50x32xf32, #tpu.memory_space<vmem>>)
      %dma_wait3A_508 = arith.constant 12 : i32
      %dma_wait3A_509 = arith.constant 600 : i32
      %dma_wait3A_510 = arith.constant 0 : i32
      %dma_wait3A_511 = tpu.memref_slice %arg7[%dma_wait3A_509, %dma_wait3A_510] : memref<800x32xf32, #tpu.memory_space<vmem>> -> memref<50x32xf32, #tpu.memory_space<vmem>>
      %dma_wait3A_512 = arith.constant 0 : i32
      %dma_wait3A_513 = tpu.memref_slice %arg5[%dma_wait3A_508, %dma_wait3A_512] : memref<16x50xi32, #tpu.memory_space<vmem>> -> memref<1x50xi32, #tpu.memory_space<vmem>>
      %dma_wait3A_514 = tpu.memref_squeeze %dma_wait3A_513 : memref<1x50xi32, #tpu.memory_space<vmem>> -> memref<50xi32, #tpu.memory_space<vmem>>
      %dma_wait3A_515 = arith.constant 0 : i32
      %dma_wait3A_516 = arith.constant 0 : i32
      %dma_wait3A_517 = tpu.memref_slice %arg2[%dma_wait3A_515, %dma_wait3A_516] : memref<1000000x32xf32, #tpu.memory_space<hbm>> -> memref<1000000x32xf32, #tpu.memory_space<hbm>>
      tpu.wait_indirect_dma semaphore(%arg11 : memref<!tpu.dma_semaphore, #tpu.memory_space<semaphore_mem>>) src(%dma_wait3A_517 : memref<1000000x32xf32, #tpu.memory_space<hbm>>) dst(%dma_wait3A_511 : memref<50x32xf32, #tpu.memory_space<vmem>>)
      %dma_wait3A_518 = arith.constant 13 : i32
      %dma_wait3A_519 = arith.constant 650 : i32
      %dma_wait3A_520 = arith.constant 0 : i32
      %dma_wait3A_521 = tpu.memref_slice %arg7[%dma_wait3A_519, %dma_wait3A_520] : memref<800x32xf32, #tpu.memory_space<vmem>> -> memref<50x32xf32, #tpu.memory_space<vmem>>
      %dma_wait3A_522 = arith.constant 0 : i32
      %dma_wait3A_523 = tpu.memref_slice %arg5[%dma_wait3A_518, %dma_wait3A_522] : memref<16x50xi32, #tpu.memory_space<vmem>> -> memref<1x50xi32, #tpu.memory_space<vmem>>
      %dma_wait3A_524 = tpu.memref_squeeze %dma_wait3A_523 : memref<1x50xi32, #tpu.memory_space<vmem>> -> memref<50xi32, #tpu.memory_space<vmem>>
      %dma_wait3A_525 = arith.constant 0 : i32
      %dma_wait3A_526 = arith.constant 0 : i32
      %dma_wait3A_527 = tpu.memref_slice %arg2[%dma_wait3A_525, %dma_wait3A_526] : memref<1000000x32xf32, #tpu.memory_space<hbm>> -> memref<1000000x32xf32, #tpu.memory_space<hbm>>
      tpu.wait_indirect_dma semaphore(%arg11 : memref<!tpu.dma_semaphore, #tpu.memory_space<semaphore_mem>>) src(%dma_wait3A_527 : memref<1000000x32xf32, #tpu.memory_space<hbm>>) dst(%dma_wait3A_521 : memref<50x32xf32, #tpu.memory_space<vmem>>)
      %dma_wait3A_528 = arith.constant 14 : i32
      %dma_wait3A_529 = arith.constant 700 : i32
      %dma_wait3A_530 = arith.constant 0 : i32
      %dma_wait3A_531 = tpu.memref_slice %arg7[%dma_wait3A_529, %dma_wait3A_530] : memref<800x32xf32, #tpu.memory_space<vmem>> -> memref<50x32xf32, #tpu.memory_space<vmem>>
      %dma_wait3A_532 = arith.constant 0 : i32
      %dma_wait3A_533 = tpu.memref_slice %arg5[%dma_wait3A_528, %dma_wait3A_532] : memref<16x50xi32, #tpu.memory_space<vmem>> -> memref<1x50xi32, #tpu.memory_space<vmem>>
      %dma_wait3A_534 = tpu.memref_squeeze %dma_wait3A_533 : memref<1x50xi32, #tpu.memory_space<vmem>> -> memref<50xi32, #tpu.memory_space<vmem>>
      %dma_wait3A_535 = arith.constant 0 : i32
      %dma_wait3A_536 = arith.constant 0 : i32
      %dma_wait3A_537 = tpu.memref_slice %arg2[%dma_wait3A_535, %dma_wait3A_536] : memref<1000000x32xf32, #tpu.memory_space<hbm>> -> memref<1000000x32xf32, #tpu.memory_space<hbm>>
      tpu.wait_indirect_dma semaphore(%arg11 : memref<!tpu.dma_semaphore, #tpu.memory_space<semaphore_mem>>) src(%dma_wait3A_537 : memref<1000000x32xf32, #tpu.memory_space<hbm>>) dst(%dma_wait3A_531 : memref<50x32xf32, #tpu.memory_space<vmem>>)
      %dma_wait3A_538 = arith.constant 15 : i32
      %dma_wait3A_539 = arith.constant 750 : i32
      %dma_wait3A_540 = arith.constant 0 : i32
      %dma_wait3A_541 = tpu.memref_slice %arg7[%dma_wait3A_539, %dma_wait3A_540] : memref<800x32xf32, #tpu.memory_space<vmem>> -> memref<50x32xf32, #tpu.memory_space<vmem>>
      %dma_wait3A_542 = arith.constant 0 : i32
      %dma_wait3A_543 = tpu.memref_slice %arg5[%dma_wait3A_538, %dma_wait3A_542] : memref<16x50xi32, #tpu.memory_space<vmem>> -> memref<1x50xi32, #tpu.memory_space<vmem>>
      %dma_wait3A_544 = tpu.memref_squeeze %dma_wait3A_543 : memref<1x50xi32, #tpu.memory_space<vmem>> -> memref<50xi32, #tpu.memory_space<vmem>>
      %dma_wait3A_545 = arith.constant 0 : i32
      %dma_wait3A_546 = arith.constant 0 : i32
      %dma_wait3A_547 = tpu.memref_slice %arg2[%dma_wait3A_545, %dma_wait3A_546] : memref<1000000x32xf32, #tpu.memory_space<hbm>> -> memref<1000000x32xf32, #tpu.memory_space<hbm>>
      tpu.wait_indirect_dma semaphore(%arg11 : memref<!tpu.dma_semaphore, #tpu.memory_space<semaphore_mem>>) src(%dma_wait3A_547 : memref<1000000x32xf32, #tpu.memory_space<hbm>>) dst(%dma_wait3A_541 : memref<50x32xf32, #tpu.memory_space<vmem>>)
      %add3A_548 = arith.constant 0 : i32
      %add3A_549 = arith.addi %add3A_33, %add3A_548 : i32
      %add3A_550 = arith.constant 2 : i32
      %add3A_551 = arith.addi %add3A_549, %add3A_550 : i32
      %lt3A = arith.constant 32 : i32
      %lt3A_552 = arith.cmpi slt, %add3A_551, %lt3A : i32
      %convert_element_type3A_553 = arith.extui %lt3A_552 : i1 to i32
      %cond3A_554 = arith.constant 0 : i32
      %cond3A_555 = arith.cmpi ne, %convert_element_type3A_553, %cond3A_554 : i32
      scf.if %cond3A_555 {
        %add3A_742 = arith.constant 32 : i32
        %add3A_743 = arith.addi %add3A_387, %add3A_742 : i32
        %dma_start3A_744 = arith.constant 0 : i32
        %dma_start3A_745 = tpu.memref_slice %arg3[%add3A_743, %dma_start3A_744] : memref<16384x50xi32, #tpu.memory_space<hbm>> -> memref<16x50xi32, #tpu.memory_space<hbm>>
        %dma_start3A_746 = arith.constant 0 : i32
        %dma_start3A_747 = tpu.memref_slice %arg3[%add3A_743, %dma_start3A_746] : memref<16384x50xi32, #tpu.memory_space<hbm>> -> memref<16x50xi32, #tpu.memory_space<hbm>>
        tpu.enqueue_dma source(%dma_start3A_747 : memref<16x50xi32, #tpu.memory_space<hbm>>) target(%arg5 : memref<16x50xi32, #tpu.memory_space<vmem>>) target_semaphore(%arg9 : memref<!tpu.dma_semaphore, #tpu.memory_space<semaphore_mem>>)
      } else {
      }
      %mul3A_556 = arith.constant 50 : i32
      %mul3A_557 = arith.muli %add3A_387, %mul3A_556 : i32
      %dma_start3A_558 = arith.constant 0 : i32
      %dma_start3A_559 = tpu.memref_slice %arg4[%mul3A_557, %dma_start3A_558] : memref<819200x32xf32, #tpu.memory_space<hbm>> -> memref<800x32xf32, #tpu.memory_space<hbm>>
      %dma_start3A_560 = arith.constant 0 : i32
      %dma_start3A_561 = tpu.memref_slice %arg4[%mul3A_557, %dma_start3A_560] : memref<819200x32xf32, #tpu.memory_space<hbm>> -> memref<800x32xf32, #tpu.memory_space<hbm>>
      tpu.enqueue_dma source(%arg7 : memref<800x32xf32, #tpu.memory_space<vmem>>) target(%dma_start3A_561 : memref<800x32xf32, #tpu.memory_space<hbm>>) target_semaphore(%arg13 : memref<!tpu.dma_semaphore, #tpu.memory_space<semaphore_mem>>)
      %add3A_562 = arith.constant 1 : i32
      %add3A_563 = arith.addi %add3A_33, %add3A_562 : i32
      %mul3A_564 = arith.constant 16 : i32
      %mul3A_565 = arith.muli %add3A_563, %mul3A_564 : i32
      %add3A_566 = arith.addi %mul3A_2, %mul3A_565 : i32
      %dma_wait3A_567 = arith.constant 0 : i32
      %dma_wait3A_568 = arith.constant 0 : i32
      %dma_wait3A_569 = arith.constant 0 : i32
      %dma_wait3A_570 = tpu.memref_slice %arg8[%dma_wait3A_568, %dma_wait3A_569] : memref<800x32xf32, #tpu.memory_space<vmem>> -> memref<50x32xf32, #tpu.memory_space<vmem>>
      %dma_wait3A_571 = arith.constant 0 : i32
      %dma_wait3A_572 = tpu.memref_slice %arg6[%dma_wait3A_567, %dma_wait3A_571] : memref<16x50xi32, #tpu.memory_space<vmem>> -> memref<1x50xi32, #tpu.memory_space<vmem>>
      %dma_wait3A_573 = tpu.memref_squeeze %dma_wait3A_572 : memref<1x50xi32, #tpu.memory_space<vmem>> -> memref<50xi32, #tpu.memory_space<vmem>>
      %dma_wait3A_574 = arith.constant 0 : i32
      %dma_wait3A_575 = arith.constant 0 : i32
      %dma_wait3A_576 = tpu.memref_slice %arg2[%dma_wait3A_574, %dma_wait3A_575] : memref<1000000x32xf32, #tpu.memory_space<hbm>> -> memref<1000000x32xf32, #tpu.memory_space<hbm>>
      tpu.wait_indirect_dma semaphore(%arg12 : memref<!tpu.dma_semaphore, #tpu.memory_space<semaphore_mem>>) src(%dma_wait3A_576 : memref<1000000x32xf32, #tpu.memory_space<hbm>>) dst(%dma_wait3A_570 : memref<50x32xf32, #tpu.memory_space<vmem>>)
      %dma_wait3A_577 = arith.constant 1 : i32
      %dma_wait3A_578 = arith.constant 50 : i32
      %dma_wait3A_579 = arith.constant 0 : i32
      %dma_wait3A_580 = tpu.memref_slice %arg8[%dma_wait3A_578, %dma_wait3A_579] : memref<800x32xf32, #tpu.memory_space<vmem>> -> memref<50x32xf32, #tpu.memory_space<vmem>>
      %dma_wait3A_581 = arith.constant 0 : i32
      %dma_wait3A_582 = tpu.memref_slice %arg6[%dma_wait3A_577, %dma_wait3A_581] : memref<16x50xi32, #tpu.memory_space<vmem>> -> memref<1x50xi32, #tpu.memory_space<vmem>>
      %dma_wait3A_583 = tpu.memref_squeeze %dma_wait3A_582 : memref<1x50xi32, #tpu.memory_space<vmem>> -> memref<50xi32, #tpu.memory_space<vmem>>
      %dma_wait3A_584 = arith.constant 0 : i32
      %dma_wait3A_585 = arith.constant 0 : i32
      %dma_wait3A_586 = tpu.memref_slice %arg2[%dma_wait3A_584, %dma_wait3A_585] : memref<1000000x32xf32, #tpu.memory_space<hbm>> -> memref<1000000x32xf32, #tpu.memory_space<hbm>>
      tpu.wait_indirect_dma semaphore(%arg12 : memref<!tpu.dma_semaphore, #tpu.memory_space<semaphore_mem>>) src(%dma_wait3A_586 : memref<1000000x32xf32, #tpu.memory_space<hbm>>) dst(%dma_wait3A_580 : memref<50x32xf32, #tpu.memory_space<vmem>>)
      %dma_wait3A_587 = arith.constant 2 : i32
      %dma_wait3A_588 = arith.constant 100 : i32
      %dma_wait3A_589 = arith.constant 0 : i32
      %dma_wait3A_590 = tpu.memref_slice %arg8[%dma_wait3A_588, %dma_wait3A_589] : memref<800x32xf32, #tpu.memory_space<vmem>> -> memref<50x32xf32, #tpu.memory_space<vmem>>
      %dma_wait3A_591 = arith.constant 0 : i32
      %dma_wait3A_592 = tpu.memref_slice %arg6[%dma_wait3A_587, %dma_wait3A_591] : memref<16x50xi32, #tpu.memory_space<vmem>> -> memref<1x50xi32, #tpu.memory_space<vmem>>
      %dma_wait3A_593 = tpu.memref_squeeze %dma_wait3A_592 : memref<1x50xi32, #tpu.memory_space<vmem>> -> memref<50xi32, #tpu.memory_space<vmem>>
      %dma_wait3A_594 = arith.constant 0 : i32
      %dma_wait3A_595 = arith.constant 0 : i32
      %dma_wait3A_596 = tpu.memref_slice %arg2[%dma_wait3A_594, %dma_wait3A_595] : memref<1000000x32xf32, #tpu.memory_space<hbm>> -> memref<1000000x32xf32, #tpu.memory_space<hbm>>
      tpu.wait_indirect_dma semaphore(%arg12 : memref<!tpu.dma_semaphore, #tpu.memory_space<semaphore_mem>>) src(%dma_wait3A_596 : memref<1000000x32xf32, #tpu.memory_space<hbm>>) dst(%dma_wait3A_590 : memref<50x32xf32, #tpu.memory_space<vmem>>)
      %dma_wait3A_597 = arith.constant 3 : i32
      %dma_wait3A_598 = arith.constant 150 : i32
      %dma_wait3A_599 = arith.constant 0 : i32
      %dma_wait3A_600 = tpu.memref_slice %arg8[%dma_wait3A_598, %dma_wait3A_599] : memref<800x32xf32, #tpu.memory_space<vmem>> -> memref<50x32xf32, #tpu.memory_space<vmem>>
      %dma_wait3A_601 = arith.constant 0 : i32
      %dma_wait3A_602 = tpu.memref_slice %arg6[%dma_wait3A_597, %dma_wait3A_601] : memref<16x50xi32, #tpu.memory_space<vmem>> -> memref<1x50xi32, #tpu.memory_space<vmem>>
      %dma_wait3A_603 = tpu.memref_squeeze %dma_wait3A_602 : memref<1x50xi32, #tpu.memory_space<vmem>> -> memref<50xi32, #tpu.memory_space<vmem>>
      %dma_wait3A_604 = arith.constant 0 : i32
      %dma_wait3A_605 = arith.constant 0 : i32
      %dma_wait3A_606 = tpu.memref_slice %arg2[%dma_wait3A_604, %dma_wait3A_605] : memref<1000000x32xf32, #tpu.memory_space<hbm>> -> memref<1000000x32xf32, #tpu.memory_space<hbm>>
      tpu.wait_indirect_dma semaphore(%arg12 : memref<!tpu.dma_semaphore, #tpu.memory_space<semaphore_mem>>) src(%dma_wait3A_606 : memref<1000000x32xf32, #tpu.memory_space<hbm>>) dst(%dma_wait3A_600 : memref<50x32xf32, #tpu.memory_space<vmem>>)
      %dma_wait3A_607 = arith.constant 4 : i32
      %dma_wait3A_608 = arith.constant 200 : i32
      %dma_wait3A_609 = arith.constant 0 : i32
      %dma_wait3A_610 = tpu.memref_slice %arg8[%dma_wait3A_608, %dma_wait3A_609] : memref<800x32xf32, #tpu.memory_space<vmem>> -> memref<50x32xf32, #tpu.memory_space<vmem>>
      %dma_wait3A_611 = arith.constant 0 : i32
      %dma_wait3A_612 = tpu.memref_slice %arg6[%dma_wait3A_607, %dma_wait3A_611] : memref<16x50xi32, #tpu.memory_space<vmem>> -> memref<1x50xi32, #tpu.memory_space<vmem>>
      %dma_wait3A_613 = tpu.memref_squeeze %dma_wait3A_612 : memref<1x50xi32, #tpu.memory_space<vmem>> -> memref<50xi32, #tpu.memory_space<vmem>>
      %dma_wait3A_614 = arith.constant 0 : i32
      %dma_wait3A_615 = arith.constant 0 : i32
      %dma_wait3A_616 = tpu.memref_slice %arg2[%dma_wait3A_614, %dma_wait3A_615] : memref<1000000x32xf32, #tpu.memory_space<hbm>> -> memref<1000000x32xf32, #tpu.memory_space<hbm>>
      tpu.wait_indirect_dma semaphore(%arg12 : memref<!tpu.dma_semaphore, #tpu.memory_space<semaphore_mem>>) src(%dma_wait3A_616 : memref<1000000x32xf32, #tpu.memory_space<hbm>>) dst(%dma_wait3A_610 : memref<50x32xf32, #tpu.memory_space<vmem>>)
      %dma_wait3A_617 = arith.constant 5 : i32
      %dma_wait3A_618 = arith.constant 250 : i32
      %dma_wait3A_619 = arith.constant 0 : i32
      %dma_wait3A_620 = tpu.memref_slice %arg8[%dma_wait3A_618, %dma_wait3A_619] : memref<800x32xf32, #tpu.memory_space<vmem>> -> memref<50x32xf32, #tpu.memory_space<vmem>>
      %dma_wait3A_621 = arith.constant 0 : i32
      %dma_wait3A_622 = tpu.memref_slice %arg6[%dma_wait3A_617, %dma_wait3A_621] : memref<16x50xi32, #tpu.memory_space<vmem>> -> memref<1x50xi32, #tpu.memory_space<vmem>>
      %dma_wait3A_623 = tpu.memref_squeeze %dma_wait3A_622 : memref<1x50xi32, #tpu.memory_space<vmem>> -> memref<50xi32, #tpu.memory_space<vmem>>
      %dma_wait3A_624 = arith.constant 0 : i32
      %dma_wait3A_625 = arith.constant 0 : i32
      %dma_wait3A_626 = tpu.memref_slice %arg2[%dma_wait3A_624, %dma_wait3A_625] : memref<1000000x32xf32, #tpu.memory_space<hbm>> -> memref<1000000x32xf32, #tpu.memory_space<hbm>>
      tpu.wait_indirect_dma semaphore(%arg12 : memref<!tpu.dma_semaphore, #tpu.memory_space<semaphore_mem>>) src(%dma_wait3A_626 : memref<1000000x32xf32, #tpu.memory_space<hbm>>) dst(%dma_wait3A_620 : memref<50x32xf32, #tpu.memory_space<vmem>>)
      %dma_wait3A_627 = arith.constant 6 : i32
      %dma_wait3A_628 = arith.constant 300 : i32
      %dma_wait3A_629 = arith.constant 0 : i32
      %dma_wait3A_630 = tpu.memref_slice %arg8[%dma_wait3A_628, %dma_wait3A_629] : memref<800x32xf32, #tpu.memory_space<vmem>> -> memref<50x32xf32, #tpu.memory_space<vmem>>
      %dma_wait3A_631 = arith.constant 0 : i32
      %dma_wait3A_632 = tpu.memref_slice %arg6[%dma_wait3A_627, %dma_wait3A_631] : memref<16x50xi32, #tpu.memory_space<vmem>> -> memref<1x50xi32, #tpu.memory_space<vmem>>
      %dma_wait3A_633 = tpu.memref_squeeze %dma_wait3A_632 : memref<1x50xi32, #tpu.memory_space<vmem>> -> memref<50xi32, #tpu.memory_space<vmem>>
      %dma_wait3A_634 = arith.constant 0 : i32
      %dma_wait3A_635 = arith.constant 0 : i32
      %dma_wait3A_636 = tpu.memref_slice %arg2[%dma_wait3A_634, %dma_wait3A_635] : memref<1000000x32xf32, #tpu.memory_space<hbm>> -> memref<1000000x32xf32, #tpu.memory_space<hbm>>
      tpu.wait_indirect_dma semaphore(%arg12 : memref<!tpu.dma_semaphore, #tpu.memory_space<semaphore_mem>>) src(%dma_wait3A_636 : memref<1000000x32xf32, #tpu.memory_space<hbm>>) dst(%dma_wait3A_630 : memref<50x32xf32, #tpu.memory_space<vmem>>)
      %dma_wait3A_637 = arith.constant 7 : i32
      %dma_wait3A_638 = arith.constant 350 : i32
      %dma_wait3A_639 = arith.constant 0 : i32
      %dma_wait3A_640 = tpu.memref_slice %arg8[%dma_wait3A_638, %dma_wait3A_639] : memref<800x32xf32, #tpu.memory_space<vmem>> -> memref<50x32xf32, #tpu.memory_space<vmem>>
      %dma_wait3A_641 = arith.constant 0 : i32
      %dma_wait3A_642 = tpu.memref_slice %arg6[%dma_wait3A_637, %dma_wait3A_641] : memref<16x50xi32, #tpu.memory_space<vmem>> -> memref<1x50xi32, #tpu.memory_space<vmem>>
      %dma_wait3A_643 = tpu.memref_squeeze %dma_wait3A_642 : memref<1x50xi32, #tpu.memory_space<vmem>> -> memref<50xi32, #tpu.memory_space<vmem>>
      %dma_wait3A_644 = arith.constant 0 : i32
      %dma_wait3A_645 = arith.constant 0 : i32
      %dma_wait3A_646 = tpu.memref_slice %arg2[%dma_wait3A_644, %dma_wait3A_645] : memref<1000000x32xf32, #tpu.memory_space<hbm>> -> memref<1000000x32xf32, #tpu.memory_space<hbm>>
      tpu.wait_indirect_dma semaphore(%arg12 : memref<!tpu.dma_semaphore, #tpu.memory_space<semaphore_mem>>) src(%dma_wait3A_646 : memref<1000000x32xf32, #tpu.memory_space<hbm>>) dst(%dma_wait3A_640 : memref<50x32xf32, #tpu.memory_space<vmem>>)
      %dma_wait3A_647 = arith.constant 8 : i32
      %dma_wait3A_648 = arith.constant 400 : i32
      %dma_wait3A_649 = arith.constant 0 : i32
      %dma_wait3A_650 = tpu.memref_slice %arg8[%dma_wait3A_648, %dma_wait3A_649] : memref<800x32xf32, #tpu.memory_space<vmem>> -> memref<50x32xf32, #tpu.memory_space<vmem>>
      %dma_wait3A_651 = arith.constant 0 : i32
      %dma_wait3A_652 = tpu.memref_slice %arg6[%dma_wait3A_647, %dma_wait3A_651] : memref<16x50xi32, #tpu.memory_space<vmem>> -> memref<1x50xi32, #tpu.memory_space<vmem>>
      %dma_wait3A_653 = tpu.memref_squeeze %dma_wait3A_652 : memref<1x50xi32, #tpu.memory_space<vmem>> -> memref<50xi32, #tpu.memory_space<vmem>>
      %dma_wait3A_654 = arith.constant 0 : i32
      %dma_wait3A_655 = arith.constant 0 : i32
      %dma_wait3A_656 = tpu.memref_slice %arg2[%dma_wait3A_654, %dma_wait3A_655] : memref<1000000x32xf32, #tpu.memory_space<hbm>> -> memref<1000000x32xf32, #tpu.memory_space<hbm>>
      tpu.wait_indirect_dma semaphore(%arg12 : memref<!tpu.dma_semaphore, #tpu.memory_space<semaphore_mem>>) src(%dma_wait3A_656 : memref<1000000x32xf32, #tpu.memory_space<hbm>>) dst(%dma_wait3A_650 : memref<50x32xf32, #tpu.memory_space<vmem>>)
      %dma_wait3A_657 = arith.constant 9 : i32
      %dma_wait3A_658 = arith.constant 450 : i32
      %dma_wait3A_659 = arith.constant 0 : i32
      %dma_wait3A_660 = tpu.memref_slice %arg8[%dma_wait3A_658, %dma_wait3A_659] : memref<800x32xf32, #tpu.memory_space<vmem>> -> memref<50x32xf32, #tpu.memory_space<vmem>>
      %dma_wait3A_661 = arith.constant 0 : i32
      %dma_wait3A_662 = tpu.memref_slice %arg6[%dma_wait3A_657, %dma_wait3A_661] : memref<16x50xi32, #tpu.memory_space<vmem>> -> memref<1x50xi32, #tpu.memory_space<vmem>>
      %dma_wait3A_663 = tpu.memref_squeeze %dma_wait3A_662 : memref<1x50xi32, #tpu.memory_space<vmem>> -> memref<50xi32, #tpu.memory_space<vmem>>
      %dma_wait3A_664 = arith.constant 0 : i32
      %dma_wait3A_665 = arith.constant 0 : i32
      %dma_wait3A_666 = tpu.memref_slice %arg2[%dma_wait3A_664, %dma_wait3A_665] : memref<1000000x32xf32, #tpu.memory_space<hbm>> -> memref<1000000x32xf32, #tpu.memory_space<hbm>>
      tpu.wait_indirect_dma semaphore(%arg12 : memref<!tpu.dma_semaphore, #tpu.memory_space<semaphore_mem>>) src(%dma_wait3A_666 : memref<1000000x32xf32, #tpu.memory_space<hbm>>) dst(%dma_wait3A_660 : memref<50x32xf32, #tpu.memory_space<vmem>>)
      %dma_wait3A_667 = arith.constant 10 : i32
      %dma_wait3A_668 = arith.constant 500 : i32
      %dma_wait3A_669 = arith.constant 0 : i32
      %dma_wait3A_670 = tpu.memref_slice %arg8[%dma_wait3A_668, %dma_wait3A_669] : memref<800x32xf32, #tpu.memory_space<vmem>> -> memref<50x32xf32, #tpu.memory_space<vmem>>
      %dma_wait3A_671 = arith.constant 0 : i32
      %dma_wait3A_672 = tpu.memref_slice %arg6[%dma_wait3A_667, %dma_wait3A_671] : memref<16x50xi32, #tpu.memory_space<vmem>> -> memref<1x50xi32, #tpu.memory_space<vmem>>
      %dma_wait3A_673 = tpu.memref_squeeze %dma_wait3A_672 : memref<1x50xi32, #tpu.memory_space<vmem>> -> memref<50xi32, #tpu.memory_space<vmem>>
      %dma_wait3A_674 = arith.constant 0 : i32
      %dma_wait3A_675 = arith.constant 0 : i32
      %dma_wait3A_676 = tpu.memref_slice %arg2[%dma_wait3A_674, %dma_wait3A_675] : memref<1000000x32xf32, #tpu.memory_space<hbm>> -> memref<1000000x32xf32, #tpu.memory_space<hbm>>
      tpu.wait_indirect_dma semaphore(%arg12 : memref<!tpu.dma_semaphore, #tpu.memory_space<semaphore_mem>>) src(%dma_wait3A_676 : memref<1000000x32xf32, #tpu.memory_space<hbm>>) dst(%dma_wait3A_670 : memref<50x32xf32, #tpu.memory_space<vmem>>)
      %dma_wait3A_677 = arith.constant 11 : i32
      %dma_wait3A_678 = arith.constant 550 : i32
      %dma_wait3A_679 = arith.constant 0 : i32
      %dma_wait3A_680 = tpu.memref_slice %arg8[%dma_wait3A_678, %dma_wait3A_679] : memref<800x32xf32, #tpu.memory_space<vmem>> -> memref<50x32xf32, #tpu.memory_space<vmem>>
      %dma_wait3A_681 = arith.constant 0 : i32
      %dma_wait3A_682 = tpu.memref_slice %arg6[%dma_wait3A_677, %dma_wait3A_681] : memref<16x50xi32, #tpu.memory_space<vmem>> -> memref<1x50xi32, #tpu.memory_space<vmem>>
      %dma_wait3A_683 = tpu.memref_squeeze %dma_wait3A_682 : memref<1x50xi32, #tpu.memory_space<vmem>> -> memref<50xi32, #tpu.memory_space<vmem>>
      %dma_wait3A_684 = arith.constant 0 : i32
      %dma_wait3A_685 = arith.constant 0 : i32
      %dma_wait3A_686 = tpu.memref_slice %arg2[%dma_wait3A_684, %dma_wait3A_685] : memref<1000000x32xf32, #tpu.memory_space<hbm>> -> memref<1000000x32xf32, #tpu.memory_space<hbm>>
      tpu.wait_indirect_dma semaphore(%arg12 : memref<!tpu.dma_semaphore, #tpu.memory_space<semaphore_mem>>) src(%dma_wait3A_686 : memref<1000000x32xf32, #tpu.memory_space<hbm>>) dst(%dma_wait3A_680 : memref<50x32xf32, #tpu.memory_space<vmem>>)
      %dma_wait3A_687 = arith.constant 12 : i32
      %dma_wait3A_688 = arith.constant 600 : i32
      %dma_wait3A_689 = arith.constant 0 : i32
      %dma_wait3A_690 = tpu.memref_slice %arg8[%dma_wait3A_688, %dma_wait3A_689] : memref<800x32xf32, #tpu.memory_space<vmem>> -> memref<50x32xf32, #tpu.memory_space<vmem>>
      %dma_wait3A_691 = arith.constant 0 : i32
      %dma_wait3A_692 = tpu.memref_slice %arg6[%dma_wait3A_687, %dma_wait3A_691] : memref<16x50xi32, #tpu.memory_space<vmem>> -> memref<1x50xi32, #tpu.memory_space<vmem>>
      %dma_wait3A_693 = tpu.memref_squeeze %dma_wait3A_692 : memref<1x50xi32, #tpu.memory_space<vmem>> -> memref<50xi32, #tpu.memory_space<vmem>>
      %dma_wait3A_694 = arith.constant 0 : i32
      %dma_wait3A_695 = arith.constant 0 : i32
      %dma_wait3A_696 = tpu.memref_slice %arg2[%dma_wait3A_694, %dma_wait3A_695] : memref<1000000x32xf32, #tpu.memory_space<hbm>> -> memref<1000000x32xf32, #tpu.memory_space<hbm>>
      tpu.wait_indirect_dma semaphore(%arg12 : memref<!tpu.dma_semaphore, #tpu.memory_space<semaphore_mem>>) src(%dma_wait3A_696 : memref<1000000x32xf32, #tpu.memory_space<hbm>>) dst(%dma_wait3A_690 : memref<50x32xf32, #tpu.memory_space<vmem>>)
      %dma_wait3A_697 = arith.constant 13 : i32
      %dma_wait3A_698 = arith.constant 650 : i32
      %dma_wait3A_699 = arith.constant 0 : i32
      %dma_wait3A_700 = tpu.memref_slice %arg8[%dma_wait3A_698, %dma_wait3A_699] : memref<800x32xf32, #tpu.memory_space<vmem>> -> memref<50x32xf32, #tpu.memory_space<vmem>>
      %dma_wait3A_701 = arith.constant 0 : i32
      %dma_wait3A_702 = tpu.memref_slice %arg6[%dma_wait3A_697, %dma_wait3A_701] : memref<16x50xi32, #tpu.memory_space<vmem>> -> memref<1x50xi32, #tpu.memory_space<vmem>>
      %dma_wait3A_703 = tpu.memref_squeeze %dma_wait3A_702 : memref<1x50xi32, #tpu.memory_space<vmem>> -> memref<50xi32, #tpu.memory_space<vmem>>
      %dma_wait3A_704 = arith.constant 0 : i32
      %dma_wait3A_705 = arith.constant 0 : i32
      %dma_wait3A_706 = tpu.memref_slice %arg2[%dma_wait3A_704, %dma_wait3A_705] : memref<1000000x32xf32, #tpu.memory_space<hbm>> -> memref<1000000x32xf32, #tpu.memory_space<hbm>>
      tpu.wait_indirect_dma semaphore(%arg12 : memref<!tpu.dma_semaphore, #tpu.memory_space<semaphore_mem>>) src(%dma_wait3A_706 : memref<1000000x32xf32, #tpu.memory_space<hbm>>) dst(%dma_wait3A_700 : memref<50x32xf32, #tpu.memory_space<vmem>>)
      %dma_wait3A_707 = arith.constant 14 : i32
      %dma_wait3A_708 = arith.constant 700 : i32
      %dma_wait3A_709 = arith.constant 0 : i32
      %dma_wait3A_710 = tpu.memref_slice %arg8[%dma_wait3A_708, %dma_wait3A_709] : memref<800x32xf32, #tpu.memory_space<vmem>> -> memref<50x32xf32, #tpu.memory_space<vmem>>
      %dma_wait3A_711 = arith.constant 0 : i32
      %dma_wait3A_712 = tpu.memref_slice %arg6[%dma_wait3A_707, %dma_wait3A_711] : memref<16x50xi32, #tpu.memory_space<vmem>> -> memref<1x50xi32, #tpu.memory_space<vmem>>
      %dma_wait3A_713 = tpu.memref_squeeze %dma_wait3A_712 : memref<1x50xi32, #tpu.memory_space<vmem>> -> memref<50xi32, #tpu.memory_space<vmem>>
      %dma_wait3A_714 = arith.constant 0 : i32
      %dma_wait3A_715 = arith.constant 0 : i32
      %dma_wait3A_716 = tpu.memref_slice %arg2[%dma_wait3A_714, %dma_wait3A_715] : memref<1000000x32xf32, #tpu.memory_space<hbm>> -> memref<1000000x32xf32, #tpu.memory_space<hbm>>
      tpu.wait_indirect_dma semaphore(%arg12 : memref<!tpu.dma_semaphore, #tpu.memory_space<semaphore_mem>>) src(%dma_wait3A_716 : memref<1000000x32xf32, #tpu.memory_space<hbm>>) dst(%dma_wait3A_710 : memref<50x32xf32, #tpu.memory_space<vmem>>)
      %dma_wait3A_717 = arith.constant 15 : i32
      %dma_wait3A_718 = arith.constant 750 : i32
      %dma_wait3A_719 = arith.constant 0 : i32
      %dma_wait3A_720 = tpu.memref_slice %arg8[%dma_wait3A_718, %dma_wait3A_719] : memref<800x32xf32, #tpu.memory_space<vmem>> -> memref<50x32xf32, #tpu.memory_space<vmem>>
      %dma_wait3A_721 = arith.constant 0 : i32
      %dma_wait3A_722 = tpu.memref_slice %arg6[%dma_wait3A_717, %dma_wait3A_721] : memref<16x50xi32, #tpu.memory_space<vmem>> -> memref<1x50xi32, #tpu.memory_space<vmem>>
      %dma_wait3A_723 = tpu.memref_squeeze %dma_wait3A_722 : memref<1x50xi32, #tpu.memory_space<vmem>> -> memref<50xi32, #tpu.memory_space<vmem>>
      %dma_wait3A_724 = arith.constant 0 : i32
      %dma_wait3A_725 = arith.constant 0 : i32
      %dma_wait3A_726 = tpu.memref_slice %arg2[%dma_wait3A_724, %dma_wait3A_725] : memref<1000000x32xf32, #tpu.memory_space<hbm>> -> memref<1000000x32xf32, #tpu.memory_space<hbm>>
      tpu.wait_indirect_dma semaphore(%arg12 : memref<!tpu.dma_semaphore, #tpu.memory_space<semaphore_mem>>) src(%dma_wait3A_726 : memref<1000000x32xf32, #tpu.memory_space<hbm>>) dst(%dma_wait3A_720 : memref<50x32xf32, #tpu.memory_space<vmem>>)
      %add3A_727 = arith.constant 1 : i32
      %add3A_728 = arith.addi %add3A_33, %add3A_727 : i32
      %add3A_729 = arith.constant 2 : i32
      %add3A_730 = arith.addi %add3A_728, %add3A_729 : i32
      %lt3A_731 = arith.constant 32 : i32
      %lt3A_732 = arith.cmpi slt, %add3A_730, %lt3A_731 : i32
      %convert_element_type3A_733 = arith.extui %lt3A_732 : i1 to i32
      %cond3A_734 = arith.constant 0 : i32
      %cond3A_735 = arith.cmpi ne, %convert_element_type3A_733, %cond3A_734 : i32
      scf.if %cond3A_735 {
        %add3A_742 = arith.constant 32 : i32
        %add3A_743 = arith.addi %add3A_566, %add3A_742 : i32
        %dma_start3A_744 = arith.constant 0 : i32
        %dma_start3A_745 = tpu.memref_slice %arg3[%add3A_743, %dma_start3A_744] : memref<16384x50xi32, #tpu.memory_space<hbm>> -> memref<16x50xi32, #tpu.memory_space<hbm>>
        %dma_start3A_746 = arith.constant 0 : i32
        %dma_start3A_747 = tpu.memref_slice %arg3[%add3A_743, %dma_start3A_746] : memref<16384x50xi32, #tpu.memory_space<hbm>> -> memref<16x50xi32, #tpu.memory_space<hbm>>
        tpu.enqueue_dma source(%dma_start3A_747 : memref<16x50xi32, #tpu.memory_space<hbm>>) target(%arg6 : memref<16x50xi32, #tpu.memory_space<vmem>>) target_semaphore(%arg10 : memref<!tpu.dma_semaphore, #tpu.memory_space<semaphore_mem>>)
      } else {
      }
      %mul3A_736 = arith.constant 50 : i32
      %mul3A_737 = arith.muli %add3A_566, %mul3A_736 : i32
      %dma_start3A_738 = arith.constant 0 : i32
      %dma_start3A_739 = tpu.memref_slice %arg4[%mul3A_737, %dma_start3A_738] : memref<819200x32xf32, #tpu.memory_space<hbm>> -> memref<800x32xf32, #tpu.memory_space<hbm>>
      %dma_start3A_740 = arith.constant 0 : i32
      %dma_start3A_741 = tpu.memref_slice %arg4[%mul3A_737, %dma_start3A_740] : memref<819200x32xf32, #tpu.memory_space<hbm>> -> memref<800x32xf32, #tpu.memory_space<hbm>>
      tpu.enqueue_dma source(%arg8 : memref<800x32xf32, #tpu.memory_space<vmem>>) target(%dma_start3A_741 : memref<800x32xf32, #tpu.memory_space<hbm>>) target_semaphore(%arg14 : memref<!tpu.dma_semaphore, #tpu.memory_space<semaphore_mem>>)
    }
    %scan3A_15 = arith.constant 16 : i32
    %mul3A_16 = arith.constant 50 : i32
    %mul3A_17 = arith.muli %mul3A_2, %mul3A_16 : i32
    %add3A_18 = arith.constant 24000 : i32
    %add3A_19 = arith.addi %mul3A_17, %add3A_18 : i32
    %dma_wait3A = arith.constant 0 : i32
    %dma_wait3A_20 = tpu.memref_slice %arg4[%add3A_19, %dma_wait3A] : memref<819200x32xf32, #tpu.memory_space<hbm>> -> memref<800x32xf32, #tpu.memory_space<hbm>>
    %dma_wait3A_21 = arith.constant 0 : i32
    %dma_wait3A_22 = tpu.memref_slice %arg4[%add3A_19, %dma_wait3A_21] : memref<819200x32xf32, #tpu.memory_space<hbm>> -> memref<800x32xf32, #tpu.memory_space<hbm>>
    tpu.wait_dma2 semaphore(%arg13 : memref<!tpu.dma_semaphore, #tpu.memory_space<semaphore_mem>>) src(%arg7 : memref<800x32xf32, #tpu.memory_space<vmem>>) dst(%dma_wait3A_22 : memref<800x32xf32, #tpu.memory_space<hbm>>)
    %add3A_23 = arith.constant 24800 : i32
    %add3A_24 = arith.addi %mul3A_17, %add3A_23 : i32
    %dma_wait3A_25 = arith.constant 0 : i32
    %dma_wait3A_26 = tpu.memref_slice %arg4[%add3A_24, %dma_wait3A_25] : memref<819200x32xf32, #tpu.memory_space<hbm>> -> memref<800x32xf32, #tpu.memory_space<hbm>>
    %dma_wait3A_27 = arith.constant 0 : i32
    %dma_wait3A_28 = tpu.memref_slice %arg4[%add3A_24, %dma_wait3A_27] : memref<819200x32xf32, #tpu.memory_space<hbm>> -> memref<800x32xf32, #tpu.memory_space<hbm>>
    tpu.wait_dma2 semaphore(%arg14 : memref<!tpu.dma_semaphore, #tpu.memory_space<semaphore_mem>>) src(%arg8 : memref<800x32xf32, #tpu.memory_space<vmem>>) dst(%dma_wait3A_28 : memref<800x32xf32, #tpu.memory_space<hbm>>)
    return
  }
}

module attributes {stable_mosaic.version = 14 : i64} {
  func.func @body(%arg0: i32, %arg1: memref<512x1600xf32, #tpu.memory_space<vmem>>, %arg2: memref<1600x512xf32, #tpu.memory_space<vmem>>) attributes {dimension_semantics = [#tpu.dimension_semantics<arbitrary>], iteration_bounds = array<i64: 32>, scalar_prefetch = 0 : i64, scratch_operands = 0 : i64, tpu.core_type = #tpu.core_type<tc>, window_params = [{transform_indices = @transform_0, window_bounds = array<i64: 512, 1600>}, {transform_indices = @transform_1, window_bounds = array<i64: 1600, 512>}]} {
    %get3A = arith.constant 0 : index
    %get3A_0 = arith.constant 0 : index
    %get3A_1 = vector.load %arg1[%get3A, %get3A_0] : memref<512x1600xf32, #tpu.memory_space<vmem>>, vector<512x1600xf32>
    %transpose3A = tpu.transpose %get3A_1, [1, 0] : vector<512x1600xf32> -> vector<1600x512xf32>
    %swap3A = arith.constant 0 : index
    %swap3A_2 = arith.constant 0 : index
    %swap3A_3 = vector.load %arg2[%swap3A, %swap3A_2] : memref<1600x512xf32, #tpu.memory_space<vmem>>, vector<1600x512xf32>
    tpu.vector_store %arg2[%swap3A, %swap3A_2], %transpose3A {strides = array<i32>} : memref<1600x512xf32, #tpu.memory_space<vmem>>, vector<1600x512xf32>,
    return
  }
  func.func @transform_0(%arg0: i32) -> (i32, i32) {
    %c0_i32 = arith.constant 0 : i32
    %c0_i32_0 = arith.constant 0 : i32
    return %arg0, %c0_i32 : i32, i32
  }
  func.func @transform_1(%arg0: i32) -> (i32, i32) {
    %c0_i32 = arith.constant 0 : i32
    %c0_i32_0 = arith.constant 0 : i32
    return %c0_i32, %arg0 : i32, i32
  }
}

</mosaic_0001>

<sc_bundles>
// kernel: kernel.4.cloned.1.call-start
scs
__scs_entry_jumppad:
0x0: {  	(pc) =	sbr.rel $0x88, $3  }
0x1: {  	(tag) =	ssettag $0x0;
	lr =	simm.s32 $0x1  }
0x2: {  	[smem:$0x3F9F] =	sst lr;
	_ =	strace $0xD0000000  }
0x3: {  	_ = 	snop  }
0x4: {  	_ = 	snop  }
0x5: {  	_ = 	snop  }
0x6: {  	_ = 	snop  }
0x7: {  	_ = 	snop  }
__scs_overlays_trampoline_lowered:
0x8: {  	[smem:$0x3FAE] =	sst s0  }
0x9: {  	[smem:$0x3FAF] =	sst s1  }
0xa: {  	[smem:$0x3FB0] =	sst s2  }
0xb: {  	[smem:$0x3FB1] =	sst s3  }
0xc: {  	[smem:$0x3FB2] =	sst s4  }
0xd: {  	[smem:$0x3FB3] =	sst s5  }
0xe: {  	[smem:$0x3FB4] =	sst s6  }
0xf: {  	[smem:$0x3FB5] =	sst s7  }
0x10: {  	[smem:$0x3FB6] =	sst s8  }
0x11: {  	[smem:$0x3FB7] =	sst s9;
	s0 =	simm.s32 @!p0 $0x0  }
0x12: {  	s1 =	sld [smem:$0x3F9D];
	s0 =	simm.s32 @p0 $0x1  }
0x13: {  	[smem:$0x3FB8] =	sst s0;
	s0 =	simm.s32 @!p1 $0x0  }
0x14: {  	s2 =	sld [smem:$0x3F9C];
	s0 =	simm.s32 @p1 $0x1  }
0x15: {  	[smem:$0x3FB9] =	sst s0;
	s0 =	simm.s32 @!p2 $0x0  }
0x16: {  	s3 =	sld [smem:$0x3FDB];
	s0 =	simm.s32 @p2 $0x1  }
0x17: {  	s4 =	simm.s32 $0x1BF5;
	[smem:$0x3FBB] =	sst s0  }
0x18: {  	s0 =	sld [smem:$0x3F9E];
	_ =	swait.ge [sflag:s4], $0x0  }
0x19: {  	s7 =	sld [smem:$0x3F9F]  }
0x1a: {  	s8 =	sadd.s32 $0xFFFFE003, lr  }
0x1b: {  	s9 =	sadd.s32 $0xFFFFFEF7, lr;
	s5 =	simm.s32 $0xFFFFFFFF;
	p2 =	slt.u32 s8, $0xFFFFF086  }
0x1c: {  	p1 =	slt.u32 s9, $0xF7A;
	s5 =	simm.s32 @!p2 $0x0  }
0x1d: {  	s5 =	simm.s32 @p1 $0x1;
	p0 =	seq.s32 s7, s2  }
0x1e: {  	s7 =	smul.u32 @!p0 $0xF7A, s2;
	p2 =	seq.s32 @!p0 s5, $0x0  }
0x1f: {  	s9 =	smul.u32 $0xF7A, s1;
	s8 =	simm.s32 @!p0 $0x1BF5;
	p2 =	por !p2, p0  }
0x20: {  	[sflag:s8] =	ssyncset.s32 @!p0 $0xFFFFF086;
	s6 =	sadd.s32 @!p0 s3, s7;
	s7 =	simm.s32 @!p0 $0x108  }
0x21: {  	s3 =	sadd.s32 s3, s9;
	s6 =	sadd.s32 @!p0 $0x88, s6;
	s7 =	simm.s32 @p2 $0x1082  }
0x22: {  	[simem:s7], [sflag:s8] =	dma.local @!p0 [hbm:s6], $0xF7A  }
0x23: {  	s9 =	sor.u32 $0xD0000000, s2;
	s6 =	simm.s32 $0x108;
	_ =	swait.ge @!p0 [sflag:s8], $0x0  }
0x24: {  	s3 =	sadd.s32 $0x88, s3;
	s6 =	simm.s32 @!p1 $0x1082;
	[sflag:s4] =	ssyncset.s32 $0xFFFFF086  }
0x25: {  	[simem:s6], [sflag:s4] =	dma.local [hbm:s3], $0xF7A  }
0x26: {  	[smem:$0x3F9F] =	sst s1;
	(tag) =	ssettag s2;
	_ =	strace s9  }
0x27: {  	s1 =	sld [smem:$0x3FAF]  }
0x28: {  	s2 =	sld [smem:$0x3FB0]  }
0x29: {  	s4 =	sld [smem:$0x3FB2]  }
0x2a: {  	p0 =	seq.s32 s5, $0x0;
	s5 =	sld [smem:$0x3FB3]  }
0x2b: {  	s6 =	sld [smem:$0x3FB4]  }
0x2c: {  	s7 =	sld [smem:$0x3FB5]  }
0x2d: {  	s3 =	simm.s32 $0x108;
	s8 =	sld [smem:$0x3FB6]  }
0x2e: {  	s3 =	simm.s32 @!p0 $0x1082;
	s9 =	sld [smem:$0x3FB7]  }
0x2f: {  	lr =	sadd.s32 s0, s3;
	s0 =	sld [smem:$0x3FAE]  }
0x30: {  	s3 =	sld [smem:$0x3FB1]  }
0x31: {  	[smem:$0x3FBA] =	sst s10  }
0x32: {  	s10 =	sld [smem:$0x3FB8];
	_ =	sdelay $0x3  }
0x33: {  	p0 =	seq.s32 s10, $0x1;
	s10 =	sld [smem:$0x3FBA];
	_ =	sdelay $0x3  }
0x34: {  	[smem:$0x3FBA] =	sst s10  }
0x35: {  	s10 =	sld [smem:$0x3FB9];
	_ =	sdelay $0x3  }
0x36: {  	p1 =	seq.s32 s10, $0x1;
	s10 =	sld [smem:$0x3FBA];
	_ =	sdelay $0x3  }
0x37: {  	[smem:$0x3FBA] =	sst s10  }
0x38: {  	s10 =	sld [smem:$0x3FBB]  }
0x39: {  	_ = 	snop;
	(pc) =	sbr.ind lr, $3  }
0x3a: {  	_ = 	snop  }
0x3b: {  	_ = 	snop  }
0x3c: {  	p2 =	seq.s32 s10, $0x1;
	s10 =	sld [smem:$0x3FBA]  }
0x3d: {  	_ =	shalt  }
0x3e: {  	_ =	shalt  }
0x3f: {  	_ =	shalt  }
0x40: {  	_ =	shalt  }
0x41: {  	_ =	shalt  }
0x42: {  	_ =	shalt  }
0x43: {  	_ =	shalt  }
0x44: {  	_ =	shalt  }
0x45: {  	_ =	shalt  }
0x46: {  	_ =	shalt  }
0x47: {  	_ =	shalt  }
0x48: {  	_ =	shalt  }
0x49: {  	_ =	shalt  }
0x4a: {  	_ =	shalt  }
0x4b: {  	_ =	shalt  }
0x4c: {  	_ =	shalt  }
0x4d: {  	_ =	shalt  }
0x4e: {  	_ =	shalt  }
0x4f: {  	_ =	shalt  }
0x50: {  	_ =	shalt  }
0x51: {  	_ =	shalt  }
0x52: {  	_ =	shalt  }
0x53: {  	_ =	shalt  }
0x54: {  	_ =	shalt  }
0x55: {  	_ =	shalt  }
0x56: {  	_ =	shalt  }
0x57: {  	_ =	shalt  }
0x58: {  	_ =	shalt  }
0x59: {  	_ =	shalt  }
0x5a: {  	_ =	shalt  }
0x5b: {  	_ =	shalt  }
0x5c: {  	_ =	shalt  }
0x5d: {  	_ =	shalt  }
0x5e: {  	_ =	shalt  }
0x5f: {  	_ =	shalt  }
0x60: {  	_ =	shalt  }
0x61: {  	_ =	shalt  }
0x62: {  	_ =	shalt  }
0x63: {  	_ =	shalt  }
0x64: {  	_ =	shalt  }
0x65: {  	_ =	shalt  }
0x66: {  	_ =	shalt  }
0x67: {  	_ =	shalt  }
0x68: {  	_ =	shalt  }
0x69: {  	_ =	shalt  }
0x6a: {  	_ =	shalt  }
0x6b: {  	_ =	shalt  }
0x6c: {  	_ =	shalt  }
0x6d: {  	_ =	shalt  }
0x6e: {  	_ =	shalt  }
0x6f: {  	_ =	shalt  }
0x70: {  	_ =	shalt  }
0x71: {  	_ =	shalt  }
0x72: {  	_ =	shalt  }
0x73: {  	_ =	shalt  }
0x74: {  	_ =	shalt  }
0x75: {  	_ =	shalt  }
0x76: {  	_ =	shalt  }
0x77: {  	_ =	shalt  }
0x78: {  	_ =	shalt  }
0x79: {  	_ =	shalt  }
0x7a: {  	_ =	shalt  }
0x7b: {  	_ =	shalt  }
0x7c: {  	_ =	shalt  }
0x7d: {  	_ =	shalt  }
0x7e: {  	_ =	shalt  }
0x7f: {  	_ =	shalt  }
0x80: {  	_ =	shalt  }
0x81: {  	_ =	shalt  }
0x82: {  	_ =	shalt  }
0x83: {  	_ =	shalt  }
0x84: {  	_ =	shalt  }
0x85: {  	_ =	shalt  }
0x86: {  	_ =	shalt  }
0x87: {  	_ =	shalt  }
.Lfunc_end0:
.L_simem_size_0:
called_computation_lowered:
.L_overlay_start_0:
0x88: {  	s2 =	sld [smem:$0x3FD9]  }
0x89: {  	s3 =	sld [smem:$0x3FFE];
	_ =	sdelay $0x1  }
0x8a: {  	s1 =	srdreg.scid  }
0x8b: {  	s0 =	sand.u32 $0x1, s1  }
0x8c: {  	s17 =	sshll.u32 s0, $0xA;
	s2 =	sadd.s32 s3, s2  }
0x8d: {  	s2 =	sadd.s32 s2, s17  }
0x8e: {  	[smem:$0x3FC6] =	sst s2  }
0x8f: {  	_ = 	snop  }
0x90: {  	s2 =	sld [smem:$0x3FD0];
	(tm) =	ssettm $0x1  }
0x91: {  	s18 =	sld [smem:$0x3FFB];
	_ =	sdelay $0x3  }
0x92: {  	_ =	strace s18  }
0x93: {  	s3 =	sld [smem:$0x3FFC];
	_ =	sdelay $0x3  }
0x94: {  	_ =	strace s3  }
0x95: {  	s3 =	sld [smem:$0x3FFD];
	_ =	sdelay $0x3  }
0x96: {  	_ =	strace s3  }
0x97: {  	_ =	strace $0x8FFFFFFF  }
0x98: {  	s19 =	sld [smem:$0x3FDB];
	_ =	sdelay $0x1  }
0x99: {  	s4 =	simm.s32 $_scs_section_size  }
0x9a: {  	s5 =	simm.s32 $_size__tile_overlayer_lowered;
	s6 =	simm.s32 $_tile_overlayer_lowered  }
0x9b: {  	s22 =	simm.s32 $0x1BFF;
	s21 =	sshll.u32 s6, $0x1;
	s3 =	sadd.s32 s4, s19  }
0x9c: {  	s7 =	simm.s32 $0x0;
	s20 =	sshll.u32 s5, $0x1;
	s5 =	sadd.s32 s21, s3  }
0x9d: {  	[timem:s7], [sflag:s22] =	dma.local [hbm:s5], s20  }
0x9e: {  	_ =	swait.ge [sflag:s22], s20  }
0x9f: {  	s4 =	ssub.s32 $0x0, s20;
	[sflag:s22] =	ssyncset.done $0x0  }
0xa0: {  	[sflag:s22] =	ssyncadd.s32 s4;
	_ =	sdelay $0x1  }
0xa1: {  	s23 =	simm.s32 $0x1B8B  }
0xa2: {  	_ =	swait.ge [sflag:s23], $0x1  }
0xa3: {  	[sflag:s23] =	ssyncset.done $0x0  }
0xa4: {  	s25 =	simm.s32 $0x1B8E;
	s24 =	sld [smem:$0x3FFE];
	[sflag:s23] =	ssyncadd.s32 $0xFFFFFFFF  }
0xa5: {  	s26 =	simm.s32 $execute0_lowered;
	[smem:$0x3FD2] =	sst s25  }
0xa6: {  	s5 =	sshll.u32 s26, $0x1;
	_ =	strace $0x80000046;
	[dreg:$0x1] =	wrdreg $0xFFFFFFFF  }
0xa7: {  	s28 =	simm.s32 $_size_execute0_lowered;
	s3 =	sadd.s32 s3, s5;
	[dreg:$0x0] =	wrdreg $0x0  }
0xa8: {  	s5 =	sshll.u32 s28, $0x1;
	[dreg:$0x2] =	wrdreg s3  }
0xa9: {  	[dreg:$0x3] =	wrdreg s5  }
0xaa: {  	[dreg:$0x4] =	wrdreg $0xC0  }
0xab: {  	_ =	task [dreg:s7], $0x5FFFF  }
0xac: {  	[dreg:$0x1] =	wrdreg $0xFFFFFFFF  }
0xad: {  	[dreg:$0x0] =	wrdreg $0x60  }
0xae: {  	[dreg:$0x2] =	wrdreg s24  }
0xaf: {  	[dreg:$0x3] =	wrdreg s2  }
0xb0: {  	[dreg:$0x4] =	wrdreg $0x9  }
0xb1: {  	_ =	task.clear_ibuf [dreg:s7], $0x5FFFF;
	_ =	strace $0x90000046  }
0xb2: {  	s29 =	simm.s32 $0x9;
	_ =	strace $0x80000048  }
0xb3: {  	_ =	swait.ge [sflag:s29], $0x1  }
0xb4: {  	[sflag:s29] =	ssyncadd.s32 $0xFFFFFFFF  }
0xb5: {  	_ =	strace $0x90000048  }
0xb6: {  	_ =	sfence  }
0xb7: {  	s30 =	sld [smem:$0x0];
	_ =	sdelay $0x2  }
0xb8: {  	s31 =	sshll.u32 s1, $0xD;
	s1 =	sshrl.u32 s1, $0x2  }
0xb9: {  	s3 =	sand.u32 $0x4000, s31;
	s1 =	sadd.s32 s1, s30  }
0xba: {  	s0 =	sor.u32 s3, s0;
	s1 =	sshll.u32 s1, $0x11  }
0xbb: {  	s0 =	sor.u32 s1, s0  }
0xbc: {  	s0 =	sadd.s32 $0x8F2B, s0  }
0xbd: {  	[sflag:s0] =	ssyncadd.remote.s32 $0x1  }
0xbe: {  	_ =	sfence.sel $0xFFFF  }
0xbf: {  	[dreg:$0x0] =	wrdreg $0xFFFFFFFF;
	(pc) =	sbr.abs _section_cstart, $3  }
0xc0: {  	[dreg:$0x1] =	wrdreg $0xFFFFFFFF  }
0xc1: {  	_ =	task.clear_ibuf [dreg:s7], $0x2FFFF;
	_ =	strace $0x9FFFFFFF  }
0xc2: {  	(tm) =	ssettm $0x7FFFFFFF  }
0xc3: {  	_ =	shalt  }
tec
execute0_lowered:
.L_overlay_start_1:
0x0: {  	(tag) =	ssettag $0x1  }
0x1: {  	s3 =	rddreg [dreg:$0x0]  }
0x2: {  	s1 =	rddreg [dreg:$0x1];
	s2 =	simm.s32 $0x0  }
0x3: {  	s21 =	simm.s32 $0x38;
	[smem:$0x7FF] =	sst s2  }
0x4: {  	s22 =	simm.s32 $0xD40;
	_ =	strace $0x80000047;
	[dreg:$0x5] =	wrdreg s21  }
0x5: {  	s23 =	simm.s32 $0x70;
	[dreg:$0x6] =	wrdreg s22  }
0x6: {  	s24 =	simm.s32 $0x1380;
	[dreg:$0x7] =	wrdreg s23  }
0x7: {  	s25 =	simm.s32 $0xA8;
	[dreg:$0x8] =	wrdreg s24  }
0x8: {  	s26 =	simm.s32 $0x19C0;
	[dreg:$0x9] =	wrdreg s25  }
0x9: {  	s28 =	simm.s32 $0xE0;
	[dreg:$0xa] =	wrdreg s26  }
0xa: {  	s29 =	simm.s32 $0x2000;
	[dreg:$0xb] =	wrdreg s28  }
0xb: {  	s30 =	simm.s32 $0x118;
	[dreg:$0xc] =	wrdreg s29  }
0xc: {  	s31 =	simm.s32 $0x2640;
	[dreg:$0xd] =	wrdreg s30  }
0xd: {  	s7 =	simm.s32 $0x2C80;
	[dreg:$0xe] =	wrdreg s31  }
0xe: {  	s8 =	simm.s32 $0x188;
	[dreg:$0x10] =	wrdreg s7  }
0xf: {  	s9 =	simm.s32 $0x32C0;
	[dreg:$0x11] =	wrdreg s8  }
0x10: {  	s11 =	simm.s32 $0x1C0;
	[dreg:$0x12] =	wrdreg s9  }
0x11: {  	s12 =	simm.s32 $0x3900;
	[dreg:$0x13] =	wrdreg s11  }
0x12: {  	s13 =	simm.s32 $0x1F8;
	[dreg:$0x14] =	wrdreg s12  }
0x13: {  	s14 =	simm.s32 $0x3F40;
	[dreg:$0x15] =	wrdreg s13  }
0x14: {  	s15 =	simm.s32 $0x230;
	[dreg:$0x16] =	wrdreg s14  }
0x15: {  	s16 =	simm.s32 $0x4580;
	[dreg:$0x17] =	wrdreg s15  }
0x16: {  	s17 =	simm.s32 $0x268;
	[dreg:$0x18] =	wrdreg s16  }
0x17: {  	s18 =	simm.s32 $0x4BC0;
	[dreg:$0x19] =	wrdreg s17  }
0x18: {  	s19 =	simm.s32 $0x2A0;
	[dreg:$0x1a] =	wrdreg s18  }
0x19: {  	s20 =	simm.s32 $0x5200;
	[dreg:$0x1b] =	wrdreg s19  }
0x1a: {  	[dreg:$0x1c] =	wrdreg s20;
	s21 =	simm.s32 $0x2D8  }
0x1b: {  	s22 =	simm.s32 $0x5840;
	[dreg:$0x1d] =	wrdreg s21  }
0x1c: {  	s23 =	simm.s32 $0x310;
	[dreg:$0x1e] =	wrdreg s22  }
0x1d: {  	s0 =	srdreg.scid;
	s24 =	simm.s32 $0x5E80;
	[dreg:$0x1f] =	wrdreg s23  }
0x1e: {  	s10 =	stileid.u32;
	s25 =	simm.s32 $0x348;
	[smem:$0x7E4] =	sst s24  }
0x1f: {  	s0 =	sand.u32 $0x1, s0;
	s28 =	simm.s32 $0x64C0;
	[smem:$0x7E5] =	sst s25  }
0x20: {  	s4 =	smul.u32 $0xE000, s10;
	s29 =	simm.s32 $0x3B8;
	[smem:$0x7E6] =	sst s28  }
0x21: {  	s5 =	smul.u32 $0x7000, s0;
	s30 =	simm.s32 $0x7140;
	[smem:$0x7E7] =	sst s29  }
0x22: {  	s26 =	ssub.s32 $0x2, s0;
	s31 =	simm.s32 $0x3F0;
	[smem:$0x7E8] =	sst s30  }
0x23: {  	s8 =	sshll.u32 s10, $0xA;
	s11 =	simm.s32 $0x7780;
	[smem:$0x7E9] =	sst s31  }
0x24: {  	s9 =	sshll.u32 s0, $0x9;
	s12 =	simm.s32 $0x428;
	[smem:$0x7EA] =	sst s11  }
0x25: {  	s13 =	simm.s32 $0x7DC0;
	s15 =	simm.s32 $0x460;
	[smem:$0x7EB] =	sst s12  }
0x26: {  	s17 =	simm.s32 $0x8400;
	s20 =	smul.u32 $0x32000, s10;
	[smem:$0x7EC] =	sst s13  }
0x27: {  	s19 =	simm.s32 $0x498;
	s0 =	smul.u32 $0x19000, s0;
	[smem:$0x7EF] =	sst s15  }
0x28: {  	s10 =	simm.s32 $0x32;
	s7 =	sshrl.u32 s26, $0x1;
	[smem:$0x7F1] =	sst s17  }
0x29: {  	s8 =	sor.u32 s9, s8;
	[smem:$0x7F2] =	sst s19;
	s21 =	simm.s32 $0x8A40  }
0x2a: {  	s22 =	simm.s32 $0x4D0;
	s23 =	simm.s32 $0x9080;
	s24 =	simm.s32 $0x508  }
0x2b: {  	s25 =	simm.s32 $0x96C0;
	s9 =	simm.s32 $0x1;
	[smem:$0x7F3] =	sst s21  }
0x2c: {  	s28 =	simm.s32 $0x9D00;
	s29 =	simm.s32 $0x578;
	[smem:$0x7F4] =	sst s22  }
0x2d: {  	s11 =	simm.s32 $0x700;
	s30 =	simm.s32 $0xA340;
	[smem:$0x7F5] =	sst s23  }
0x2e: {  	s12 =	simm.s32 $0x2;
	s31 =	simm.s32 $0x5B0;
	[smem:$0x7F7] =	sst s24  }
0x2f: {  	s13 =	simm.s32 $0x6B00;
	s15 =	simm.s32 $0xAFC0;
	[smem:$0x7F8] =	sst s25  }
0x30: {  	s17 =	simm.s32 $0xB600;
	s19 =	simm.s32 $0xBC40;
	[smem:$0x7FA] =	sst s28  }
0x31: {  	s5 =	sadd.s32 s5, s4;
	s4 =	sadd.s32 $0x600, s3;
	[smem:$0x7FB] =	sst s29  }
0x32: {  	s3 =	sadd.s32 $0xF42A00, s3;
	s8 =	smul.u32 $0x7, s8;
	[smem:$0x7FC] =	sst s30  }
0x33: {  	s1 =	sadd.s32 s20, s1;
	s21 =	simm.s32 $0x380;
	[smem:$0x7FD] =	sst s31  }
0x34: {  	s20 =	simm.s32 $0x690;
	s22 =	simm.s32 $0xC280;
	s23 =	simm.s32 $0x6C8  }
0x35: {  	s24 =	simm.s32 $0xC8C0;
	s25 =	simm.s32 $0x3;
	s6 =	sor.u32 $0xA80, s5  }
0x36: {  	s5 =	sor.u32 $0x700, s5;
	s0 =	sadd.s32 s0, s1;
	s14 =	sadd.s32 s4, s8  }
0x37: {  	s6 =	sshrl.u32 s6, $0x3;
	s0 =	sadd.s32 $0xC80, s0;
	[smem:$0x7ED] =	sst s14  }
0x38: {  	s5 =	sshrl.u32 s5, $0x3;
	s6 =	sadd.s32 s6, s4;
	[smem:$0x7F6] =	sst s0  }
0x39: {  	s8 =	simm.s32 $0xA980;
	s5 =	sadd.s32 s5, s4;
	[dreg:$0x3] =	wrdreg s6  }
0x3a: {  	s16 =	sadd.s32 $0x70, s14;
	s14 =	simm.s32 $0x5E8;
	[dreg:$0x4] =	wrdreg s5  }
0x3b: {  	s4 =	simm.s32 $0x0;
	s6 =	simm.s32 $0x150;
	[smem:$0x7EE] =	sst s16  }
0x3c: {  	[dreg:$0xf] =	wrdreg s6;
	s6 =	ssub.s32 s26, s7;
	s26 =	simm.s32 $0x540  }
0x3d: {  	s16 =	simm.s32 $0x620;
	s18 =	smax.u32 s6, $0x1;
	[smem:$0x7F9] =	sst s26  }
0x3e: {  	s26 =	simm.s32 $0x4;
	[smem:$0x7F0] =	sst s18;
	s18 =	simm.s32 $0x658  }
.LBB2_1:
0x3f: {  	s0 =	sld [smem:$0x7ED];
	_ =	sdelay $0x1  }
0x40: {  	s29 =	sld [smem:$0x7EE]  }
0x41: {  	[tilespmem:s2], [sflag:$0x1] =	stream.linear.gather [hbm4b:s0+s2], $0x380, $0x38;
	[tilespmem:$0xCF00] =	vst v63  }
0x42: {  	[smem:$0x7E3] =	sst s4  }
0x43: {  	[tilespmem:s21], [sflag:$0x2] =	stream.linear.gather [hbm4b:s29+s2], $0x380, $0x38;
	[tilespmem:$0xCF00] =	vst v63  }
0x44: {  	_ =	swait.ge [sflag:s9], $0x380  }
0x45: {  	p0 =	por $0x1, $0x1;
	[sflag:s9] =	ssyncset.done $0x0  }
0x46: {  	s0 =	simm.s32 @!p0 $0x5;
	[sflag:s9] =	ssyncadd.s32 $0xFFFFFC80  }
0x47: {  	_ =	swait.ge @!p0 [sflag:s0], $0x6400  }
0x48: {  	s1 =	rddreg [dreg:$0xf]  }
0x49: {  	s30 =	rddreg [dreg:$0x7]  }
0x4a: {  	s6 =	rddreg [dreg:$0x5]  }
0x4b: {  	s5 =	rddreg [dreg:$0x6]  }
0x4c: {  	s7 =	rddreg [dreg:$0x8]  }
0x4d: {  	[sflag:s0] =	ssyncset.done @!p0 $0x0;
	s28 =	rddreg [dreg:$0xa]  }
0x4e: {  	s29 =	rddreg [dreg:$0x9];
	[sflag:s0] =	ssyncadd.s32 @!p0 $0xFFFF9C00  }
0x4f: {  	[tilespmem:s11], [sflag:$0x3] =	stream.indirect.gather [hbm4b:s3+s10], $0x20, s2, s10, $0xb8;
	[tilespmem:$0xCF00] =	vst v63  }
0x50: {  	s4 =	rddreg [dreg:$0x1c]  }
0x51: {  	[tilespmem:s5], [sflag:$0x3] =	stream.indirect.gather [hbm4b:s3+s10], $0x20, s6, s10, $0xb8;
	[tilespmem:$0xCF00] =	vst v63  }
0x52: {  	s5 =	rddreg [dreg:$0xc]  }
0x53: {  	s6 =	rddreg [dreg:$0xd]  }
0x54: {  	[tilespmem:s7], [sflag:$0x3] =	stream.indirect.gather [hbm4b:s3+s10], $0x20, s30, s10, $0xb8;
	[tilespmem:$0xCF00] =	vst v63  }
0x55: {  	s30 =	rddreg [dreg:$0xb]  }
0x56: {  	s7 =	rddreg [dreg:$0x1e]  }
0x57: {  	[tilespmem:s28], [sflag:$0x3] =	stream.indirect.gather [hbm4b:s3+s10], $0x20, s29, s10, $0xb8;
	[tilespmem:$0xCF00] =	vst v63  }
0x58: {  	s28 =	rddreg [dreg:$0xe]  }
0x59: {  	s29 =	rddreg [dreg:$0x10]  }
0x5a: {  	[tilespmem:s5], [sflag:$0x3] =	stream.indirect.gather [hbm4b:s3+s10], $0x20, s30, s10, $0xb8;
	[tilespmem:$0xCF00] =	vst v63  }
0x5b: {  	s30 =	rddreg [dreg:$0x12]  }
0x5c: {  	s5 =	rddreg [dreg:$0x11]  }
0x5d: {  	[tilespmem:s28], [sflag:$0x3] =	stream.indirect.gather [hbm4b:s3+s10], $0x20, s6, s10, $0xb8;
	[tilespmem:$0xCF00] =	vst v63  }
0x5e: {  	s28 =	rddreg [dreg:$0x14]  }
0x5f: {  	[tilespmem:s29], [sflag:$0x3] =	stream.indirect.gather [hbm4b:s3+s10], $0x20, s1, s10, $0xb8;
	[tilespmem:$0xCF00] =	vst v63  }
0x60: {  	s29 =	rddreg [dreg:$0x13]  }
0x61: {  	[tilespmem:s30], [sflag:$0x3] =	stream.indirect.gather [hbm4b:s3+s10], $0x20, s5, s10, $0xb8;
	[tilespmem:$0xCF00] =	vst v63  }
0x62: {  	s30 =	rddreg [dreg:$0x16]  }
0x63: {  	s5 =	rddreg [dreg:$0x15]  }
0x64: {  	[tilespmem:s28], [sflag:$0x3] =	stream.indirect.gather [hbm4b:s3+s10], $0x20, s29, s10, $0xb8;
	[tilespmem:$0xCF00] =	vst v63  }
0x65: {  	s28 =	rddreg [dreg:$0x18]  }
0x66: {  	s29 =	rddreg [dreg:$0x17]  }
0x67: {  	[tilespmem:s30], [sflag:$0x3] =	stream.indirect.gather [hbm4b:s3+s10], $0x20, s5, s10, $0xb8;
	[tilespmem:$0xCF00] =	vst v63  }
0x68: {  	s30 =	rddreg [dreg:$0x1a]  }
0x69: {  	s5 =	rddreg [dreg:$0x19]  }
0x6a: {  	[tilespmem:s28], [sflag:$0x3] =	stream.indirect.gather [hbm4b:s3+s10], $0x20, s29, s10, $0xb8;
	[tilespmem:$0xCF00] =	vst v63  }
0x6b: {  	s28 =	rddreg [dreg:$0x1b]  }
0x6c: {  	s29 =	rddreg [dreg:$0x1d]  }
0x6d: {  	[tilespmem:s30], [sflag:$0x3] =	stream.indirect.gather [hbm4b:s3+s10], $0x20, s5, s10, $0xb8;
	[tilespmem:$0xCF00] =	vst v63  }
0x6e: {  	s30 =	rddreg [dreg:$0x1f]  }
0x6f: {  	s5 =	sld [smem:$0x7E4]  }
0x70: {  	[tilespmem:s4], [sflag:$0x3] =	stream.indirect.gather [hbm4b:s3+s10], $0x20, s28, s10, $0xb8;
	[tilespmem:$0xCF00] =	vst v63  }
0x71: {  	s28 =	sld [smem:$0x7E5]  }
0x72: {  	[tilespmem:s7], [sflag:$0x3] =	stream.indirect.gather [hbm4b:s3+s10], $0x20, s29, s10, $0xb8;
	[tilespmem:$0xCF00] =	vst v63  }
0x73: {  	s29 =	sld [smem:$0x7E6]  }
0x74: {  	[tilespmem:s5], [sflag:$0x3] =	stream.indirect.gather [hbm4b:s3+s10], $0x20, s30, s10, $0xb8;
	[tilespmem:$0xCF00] =	vst v63  }
0x75: {  	_ = 	snop  }
0x76: {  	[tilespmem:s29], [sflag:$0x3] =	stream.indirect.gather [hbm4b:s3+s10], $0x20, s28, s10, $0xb8;
	[tilespmem:$0xCF00] =	vst v63  }
0x77: {  	_ =	swait.ge [sflag:s12], $0x380  }
0x78: {  	[sflag:s12] =	ssyncset.done $0x0  }
0x79: {  	s0 =	simm.s32 @!p0 $0x6;
	[sflag:s12] =	ssyncadd.s32 $0xFFFFFC80  }
0x7a: {  	_ =	swait.ge @!p0 [sflag:s0], $0x6400  }
0x7b: {  	s1 =	sld [smem:$0x7FA]  }
0x7c: {  	s30 =	sld [smem:$0x7E9]  }
0x7d: {  	s5 =	sld [smem:$0x7E7]  }
0x7e: {  	s7 =	sld [smem:$0x7E8]  }
0x7f: {  	s28 =	sld [smem:$0x7EC]  }
0x80: {  	[sflag:s0] =	ssyncset.done @!p0 $0x0;
	s29 =	sld [smem:$0x7EB]  }
0x81: {  	s6 =	sld [smem:$0x7F3];
	[sflag:s0] =	ssyncadd.s32 @!p0 $0xFFFF9C00  }
0x82: {  	[tilespmem:s13], [sflag:$0x4] =	stream.indirect.gather [hbm4b:s3+s10], $0x20, s21, s10, $0xb8;
	[tilespmem:$0xCF00] =	vst v63  }
0x83: {  	s21 =	sld [smem:$0x7EA]  }
0x84: {  	[tilespmem:s7], [sflag:$0x4] =	stream.indirect.gather [hbm4b:s3+s10], $0x20, s5, s10, $0xb8;
	[tilespmem:$0xCF00] =	vst v63  }
0x85: {  	s5 =	sld [smem:$0x7F1]  }
0x86: {  	s7 =	sld [smem:$0x7F9]  }
0x87: {  	[tilespmem:s21], [sflag:$0x4] =	stream.indirect.gather [hbm4b:s3+s10], $0x20, s30, s10, $0xb8;
	[tilespmem:$0xCF00] =	vst v63  }
0x88: {  	s30 =	sld [smem:$0x7EF]  }
0x89: {  	s21 =	sld [smem:$0x7F2]  }
0x8a: {  	[tilespmem:s28], [sflag:$0x4] =	stream.indirect.gather [hbm4b:s3+s10], $0x20, s29, s10, $0xb8;
	[tilespmem:$0xCF00] =	vst v63  }
0x8b: {  	s28 =	sld [smem:$0x7F5]  }
0x8c: {  	s29 =	sld [smem:$0x7F4]  }
0x8d: {  	[tilespmem:s5], [sflag:$0x4] =	stream.indirect.gather [hbm4b:s3+s10], $0x20, s30, s10, $0xb8;
	[tilespmem:$0xCF00] =	vst v63  }
0x8e: {  	s30 =	sld [smem:$0x7F8]  }
0x8f: {  	[tilespmem:s6], [sflag:$0x4] =	stream.indirect.gather [hbm4b:s3+s10], $0x20, s21, s10, $0xb8;
	[tilespmem:$0xCF00] =	vst v63  }
0x90: {  	s5 =	sld [smem:$0x7F7]  }
0x91: {  	[tilespmem:s28], [sflag:$0x4] =	stream.indirect.gather [hbm4b:s3+s10], $0x20, s29, s10, $0xb8;
	[tilespmem:$0xCF00] =	vst v63  }
0x92: {  	s21 =	sld [smem:$0x7FB]  }
0x93: {  	[tilespmem:s30], [sflag:$0x4] =	stream.indirect.gather [hbm4b:s3+s10], $0x20, s5, s10, $0xb8;
	[tilespmem:$0xCF00] =	vst v63  }
0x94: {  	s28 =	sld [smem:$0x7FC]  }
0x95: {  	[tilespmem:s1], [sflag:$0x4] =	stream.indirect.gather [hbm4b:s3+s10], $0x20, s7, s10, $0xb8;
	[tilespmem:$0xCF00] =	vst v63  }
0x96: {  	s29 =	sld [smem:$0x7FD]  }
0x97: {  	[tilespmem:s28], [sflag:$0x4] =	stream.indirect.gather [hbm4b:s3+s10], $0x20, s21, s10, $0xb8;
	[tilespmem:$0xCF00] =	vst v63  }
0x98: {  	_ = 	snop  }
0x99: {  	[tilespmem:s8], [sflag:$0x4] =	stream.indirect.gather [hbm4b:s3+s10], $0x20, s29, s10, $0xb8;
	[tilespmem:$0xCF00] =	vst v63  }
0x9a: {  	_ = 	snop  }
0x9b: {  	[tilespmem:s15], [sflag:$0x4] =	stream.indirect.gather [hbm4b:s3+s10], $0x20, s14, s10, $0xb8;
	[tilespmem:$0xCF00] =	vst v63  }
0x9c: {  	_ = 	snop  }
0x9d: {  	[tilespmem:s17], [sflag:$0x4] =	stream.indirect.gather [hbm4b:s3+s10], $0x20, s16, s10, $0xb8;
	[tilespmem:$0xCF00] =	vst v63  }
0x9e: {  	_ = 	snop  }
0x9f: {  	[tilespmem:s19], [sflag:$0x4] =	stream.indirect.gather [hbm4b:s3+s10], $0x20, s18, s10, $0xb8;
	[tilespmem:$0xCF00] =	vst v63  }
0xa0: {  	_ = 	snop  }
0xa1: {  	[tilespmem:s22], [sflag:$0x4] =	stream.indirect.gather [hbm4b:s3+s10], $0x20, s20, s10, $0xb8;
	[tilespmem:$0xCF00] =	vst v63  }
0xa2: {  	_ = 	snop  }
0xa3: {  	[tilespmem:s24], [sflag:$0x4] =	stream.indirect.gather [hbm4b:s3+s10], $0x20, s23, s10, $0xb8;
	[tilespmem:$0xCF00] =	vst v63  }
0xa4: {  	_ =	swait.ge [sflag:s25], $0x640  }
0xa5: {  	[sflag:s25] =	ssyncset.done $0x0  }
0xa6: {  	[sflag:s25] =	ssyncadd.s32 $0xFFFFF9C0  }
0xa7: {  	_ =	swait.ge [sflag:s25], $0x640  }
0xa8: {  	[sflag:s25] =	ssyncset.done $0x0  }
0xa9: {  	[sflag:s25] =	ssyncadd.s32 $0xFFFFF9C0  }
0xaa: {  	_ =	swait.ge [sflag:s25], $0x640  }
0xab: {  	[sflag:s25] =	ssyncset.done $0x0  }
0xac: {  	[sflag:s25] =	ssyncadd.s32 $0xFFFFF9C0  }
0xad: {  	_ =	swait.ge [sflag:s25], $0x640  }
0xae: {  	[sflag:s25] =	ssyncset.done $0x0  }
0xaf: {  	[sflag:s25] =	ssyncadd.s32 $0xFFFFF9C0  }
0xb0: {  	_ =	swait.ge [sflag:s25], $0x640  }
0xb1: {  	[sflag:s25] =	ssyncset.done $0x0  }
0xb2: {  	[sflag:s25] =	ssyncadd.s32 $0xFFFFF9C0  }
0xb3: {  	_ =	swait.ge [sflag:s25], $0x640  }
0xb4: {  	[sflag:s25] =	ssyncset.done $0x0  }
0xb5: {  	[sflag:s25] =	ssyncadd.s32 $0xFFFFF9C0  }
0xb6: {  	_ =	swait.ge [sflag:s25], $0x640  }
0xb7: {  	[sflag:s25] =	ssyncset.done $0x0  }
0xb8: {  	[sflag:s25] =	ssyncadd.s32 $0xFFFFF9C0  }
0xb9: {  	_ =	swait.ge [sflag:s25], $0x640  }
0xba: {  	[sflag:s25] =	ssyncset.done $0x0  }
0xbb: {  	[sflag:s25] =	ssyncadd.s32 $0xFFFFF9C0  }
0xbc: {  	_ =	swait.ge [sflag:s25], $0x640  }
0xbd: {  	[sflag:s25] =	ssyncset.done $0x0  }
0xbe: {  	[sflag:s25] =	ssyncadd.s32 $0xFFFFF9C0  }
0xbf: {  	_ =	swait.ge [sflag:s25], $0x640  }
0xc0: {  	[sflag:s25] =	ssyncset.done $0x0  }
0xc1: {  	[sflag:s25] =	ssyncadd.s32 $0xFFFFF9C0  }
0xc2: {  	_ =	swait.ge [sflag:s25], $0x640  }
0xc3: {  	[sflag:s25] =	ssyncset.done $0x0  }
0xc4: {  	[sflag:s25] =	ssyncadd.s32 $0xFFFFF9C0  }
0xc5: {  	_ =	swait.ge [sflag:s25], $0x640  }
0xc6: {  	[sflag:s25] =	ssyncset.done $0x0  }
0xc7: {  	[sflag:s25] =	ssyncadd.s32 $0xFFFFF9C0  }
0xc8: {  	_ =	swait.ge [sflag:s25], $0x640  }
0xc9: {  	[sflag:s25] =	ssyncset.done $0x0  }
0xca: {  	[sflag:s25] =	ssyncadd.s32 $0xFFFFF9C0  }
0xcb: {  	_ =	swait.ge [sflag:s25], $0x640  }
0xcc: {  	[sflag:s25] =	ssyncset.done $0x0  }
0xcd: {  	[sflag:s25] =	ssyncadd.s32 $0xFFFFF9C0  }
0xce: {  	_ =	swait.ge [sflag:s25], $0x640  }
0xcf: {  	[sflag:s25] =	ssyncset.done $0x0  }
0xd0: {  	[sflag:s25] =	ssyncadd.s32 $0xFFFFF9C0  }
0xd1: {  	_ =	swait.ge [sflag:s25], $0x640  }
0xd2: {  	s0 =	rddreg [dreg:$0x4]  }
0xd3: {  	p1 =	por $0x0, $0x0;
	[sflag:s25] =	ssyncset.done $0x0;
	s7 =	sld [smem:$0x7F6]  }
0xd4: {  	s6 =	simm.s32 @!p1 $0x0;
	[sflag:s25] =	ssyncadd.s32 $0xFFFFF9C0;
	s0 =	sadd.s32 @!p1 $0x0, s0  }
0xd5: {  	[tilespmem:s6], [sflag:$0x1] =	stream.linear.gather @!p1 [hbm4b:s0+s6], $0x380, $0x38;
	[tilespmem:$0xCF00] =	vst v63  }
0xd6: {  	s30 =	sadd.s32 $0xFFFFF380, s7  }
0xd7: {  	[hbm4b:s30+s2] =	stream.linear.scatter [tilespmem:s11], [sflag:$0x5], $0x6400, $0x38;
	[tilespmem:$0xCF00] =	vst v63  }
0xd8: {  	_ =	swait.ge [sflag:s26], $0x640  }
0xd9: {  	[sflag:s26] =	ssyncset.done $0x0  }
0xda: {  	[sflag:s26] =	ssyncadd.s32 $0xFFFFF9C0  }
0xdb: {  	_ =	swait.ge [sflag:s26], $0x640  }
0xdc: {  	[sflag:s26] =	ssyncset.done $0x0  }
0xdd: {  	[sflag:s26] =	ssyncadd.s32 $0xFFFFF9C0  }
0xde: {  	_ =	swait.ge [sflag:s26], $0x640  }
0xdf: {  	[sflag:s26] =	ssyncset.done $0x0  }
0xe0: {  	[sflag:s26] =	ssyncadd.s32 $0xFFFFF9C0  }
0xe1: {  	_ =	swait.ge [sflag:s26], $0x640  }
0xe2: {  	[sflag:s26] =	ssyncset.done $0x0  }
0xe3: {  	[sflag:s26] =	ssyncadd.s32 $0xFFFFF9C0  }
0xe4: {  	_ =	swait.ge [sflag:s26], $0x640  }
0xe5: {  	[sflag:s26] =	ssyncset.done $0x0  }
0xe6: {  	[sflag:s26] =	ssyncadd.s32 $0xFFFFF9C0  }
0xe7: {  	_ =	swait.ge [sflag:s26], $0x640  }
0xe8: {  	[sflag:s26] =	ssyncset.done $0x0  }
0xe9: {  	[sflag:s26] =	ssyncadd.s32 $0xFFFFF9C0  }
0xea: {  	_ =	swait.ge [sflag:s26], $0x640  }
0xeb: {  	[sflag:s26] =	ssyncset.done $0x0  }
0xec: {  	[sflag:s26] =	ssyncadd.s32 $0xFFFFF9C0  }
0xed: {  	_ =	swait.ge [sflag:s26], $0x640  }
0xee: {  	[sflag:s26] =	ssyncset.done $0x0  }
0xef: {  	[sflag:s26] =	ssyncadd.s32 $0xFFFFF9C0  }
0xf0: {  	_ =	swait.ge [sflag:s26], $0x640  }
0xf1: {  	[sflag:s26] =	ssyncset.done $0x0  }
0xf2: {  	s31 =	simm.s32 $0x0;
	[sflag:s26] =	ssyncadd.s32 $0xFFFFF9C0  }
0xf3: {  	s0 =	simm.s32 $0xE0;
	s1 =	smov.u32 s7;
	_ =	swait.ge [sflag:s26], $0x640  }
.LBB2_2:
0xf4: {  	[sflag:s26] =	ssyncset.done $0x0  }
0xf5: {  	[sflag:s26] =	ssyncadd.s32 $0xFFFFF9C0  }
0xf6: {  	_ =	swait.ge [sflag:s26], $0x640  }
0xf7: {  	[sflag:s26] =	ssyncset.done $0x0  }
0xf8: {  	[sflag:s26] =	ssyncadd.s32 $0xFFFFF9C0  }
0xf9: {  	_ =	swait.ge [sflag:s26], $0x640  }
0xfa: {  	[sflag:s26] =	ssyncset.done $0x0  }
0xfb: {  	[sflag:s26] =	ssyncadd.s32 $0xFFFFF9C0  }
0xfc: {  	_ =	swait.ge [sflag:s26], $0x640  }
0xfd: {  	[sflag:s26] =	ssyncset.done $0x0  }
0xfe: {  	[sflag:s26] =	ssyncadd.s32 $0xFFFFF9C0  }
0xff: {  	_ =	swait.ge [sflag:s26], $0x640  }
0x100: {  	[sflag:s26] =	ssyncset.done $0x0  }
0x101: {  	[sflag:s26] =	ssyncadd.s32 $0xFFFFF9C0  }
0x102: {  	_ =	swait.ge [sflag:s26], $0x640  }
0x103: {  	[sflag:s26] =	ssyncset.done $0x0  }
0x104: {  	[sflag:s26] =	ssyncadd.s32 $0xFFFFF9C0  }
0x105: {  	_ =	swait.ge [sflag:s26], $0x640  }
0x106: {  	s28 =	rddreg [dreg:$0x3];
	[sflag:s26] =	ssyncset.done $0x0  }
0x107: {  	s29 =	simm.s32 @!p1 $0x380;
	[sflag:s26] =	ssyncadd.s32 $0xFFFFF9C0;
	s28 =	sadd.s32 @!p1 s31, s28  }
0x108: {  	[tilespmem:s29], [sflag:$0x2] =	stream.linear.gather @!p1 [hbm4b:s28+s6], $0x380, $0x38;
	[tilespmem:$0xCF00] =	vst v63  }
0x109: {  	s4 =	smov.u32 s0  }
0x10a: {  	[hbm4b:s7+s2] =	stream.linear.scatter [tilespmem:s13], [sflag:$0x6], $0x6400, $0x38;
	[tilespmem:$0xCF00] =	vst v63  }
0x10b: {  	s31 =	smov.u32 s4;
	_ =	swait.ge [sflag:s9], $0x380  }
0x10c: {  	p1 =	seq.s32 s31, $0x0;
	[sflag:s9] =	ssyncset.done $0x0  }
0x10d: {  	s28 =	simm.s32 @!p1 $0x5;
	[sflag:s9] =	ssyncadd.s32 $0xFFFFFC80  }
0x10e: {  	_ =	swait.ge @!p1 [sflag:s28], $0x6400  }
0x10f: {  	s29 =	rddreg [dreg:$0xf]  }
0x110: {  	s5 =	rddreg [dreg:$0xd]  }
0x111: {  	s30 =	rddreg [dreg:$0xe]  }
0x112: {  	s6 =	rddreg [dreg:$0x1c]  }
0x113: {  	s8 =	rddreg [dreg:$0xb]  }
0x114: {  	s4 =	rddreg [dreg:$0x18]  }
0x115: {  	s14 =	rddreg [dreg:$0xa]  }
0x116: {  	s15 =	rddreg [dreg:$0x14]  }
0x117: {  	s16 =	rddreg [dreg:$0x10]  }
0x118: {  	s17 =	rddreg [dreg:$0xc]  }
0x119: {  	s18 =	rddreg [dreg:$0x9]  }
0x11a: {  	s19 =	rddreg [dreg:$0x7]  }
0x11b: {  	s20 =	rddreg [dreg:$0x8]  }
0x11c: {  	s21 =	rddreg [dreg:$0x6]  }
0x11d: {  	[sflag:s28] =	ssyncset.done @!p1 $0x0;
	s22 =	rddreg [dreg:$0x12]  }
0x11e: {  	s23 =	rddreg [dreg:$0x11];
	[sflag:s28] =	ssyncadd.s32 @!p1 $0xFFFF9C00  }
0x11f: {  	[tilespmem:s11], [sflag:$0x3] =	stream.indirect.gather [hbm4b:s3+s10], $0x20, s2, s10, $0xb8;
	[tilespmem:$0xCF00] =	vst v63  }
0x120: {  	s28 =	rddreg [dreg:$0x5]  }
0x121: {  	[tilespmem:s21], [sflag:$0x3] =	stream.indirect.gather [hbm4b:s3+s10], $0x20, s28, s10, $0xb8;
	[tilespmem:$0xCF00] =	vst v63  }
0x122: {  	s21 =	rddreg [dreg:$0x13]  }
0x123: {  	[tilespmem:s20], [sflag:$0x3] =	stream.indirect.gather [hbm4b:s3+s10], $0x20, s19, s10, $0xb8;
	[tilespmem:$0xCF00] =	vst v63  }
0x124: {  	s28 =	rddreg [dreg:$0x19]  }
0x125: {  	[tilespmem:s14], [sflag:$0x3] =	stream.indirect.gather [hbm4b:s3+s10], $0x20, s18, s10, $0xb8;
	[tilespmem:$0xCF00] =	vst v63  }
0x126: {  	s19 =	rddreg [dreg:$0x16]  }
0x127: {  	[tilespmem:s17], [sflag:$0x3] =	stream.indirect.gather [hbm4b:s3+s10], $0x20, s8, s10, $0xb8;
	[tilespmem:$0xCF00] =	vst v63  }
0x128: {  	s20 =	rddreg [dreg:$0x1a]  }
0x129: {  	[tilespmem:s30], [sflag:$0x3] =	stream.indirect.gather [hbm4b:s3+s10], $0x20, s5, s10, $0xb8;
	[tilespmem:$0xCF00] =	vst v63  }
0x12a: {  	s18 =	rddreg [dreg:$0x15]  }
0x12b: {  	[tilespmem:s16], [sflag:$0x3] =	stream.indirect.gather [hbm4b:s3+s10], $0x20, s29, s10, $0xb8;
	[tilespmem:$0xCF00] =	vst v63  }
0x12c: {  	s17 =	rddreg [dreg:$0x17]  }
0x12d: {  	[tilespmem:s22], [sflag:$0x3] =	stream.indirect.gather [hbm4b:s3+s10], $0x20, s23, s10, $0xb8;
	[tilespmem:$0xCF00] =	vst v63  }
0x12e: {  	s30 =	rddreg [dreg:$0x1e]  }
0x12f: {  	[tilespmem:s15], [sflag:$0x3] =	stream.indirect.gather [hbm4b:s3+s10], $0x20, s21, s10, $0xb8;
	[tilespmem:$0xCF00] =	vst v63  }
0x130: {  	s29 =	rddreg [dreg:$0x1b]  }
0x131: {  	[tilespmem:s19], [sflag:$0x3] =	stream.indirect.gather [hbm4b:s3+s10], $0x20, s18, s10, $0xb8;
	[tilespmem:$0xCF00] =	vst v63  }
0x132: {  	s18 =	rddreg [dreg:$0x1d]  }
0x133: {  	[tilespmem:s4], [sflag:$0x3] =	stream.indirect.gather [hbm4b:s3+s10], $0x20, s17, s10, $0xb8;
	[tilespmem:$0xCF00] =	vst v63  }
0x134: {  	s19 =	rddreg [dreg:$0x1f]  }
0x135: {  	[tilespmem:s20], [sflag:$0x3] =	stream.indirect.gather [hbm4b:s3+s10], $0x20, s28, s10, $0xb8;
	[tilespmem:$0xCF00] =	vst v63  }
0x136: {  	s20 =	sld [smem:$0x7E4]  }
0x137: {  	[tilespmem:s6], [sflag:$0x3] =	stream.indirect.gather [hbm4b:s3+s10], $0x20, s29, s10, $0xb8;
	[tilespmem:$0xCF00] =	vst v63  }
0x138: {  	s28 =	sld [smem:$0x7E5]  }
0x139: {  	[tilespmem:s30], [sflag:$0x3] =	stream.indirect.gather [hbm4b:s3+s10], $0x20, s18, s10, $0xb8;
	[tilespmem:$0xCF00] =	vst v63  }
0x13a: {  	s29 =	sld [smem:$0x7E6]  }
0x13b: {  	[tilespmem:s20], [sflag:$0x3] =	stream.indirect.gather [hbm4b:s3+s10], $0x20, s19, s10, $0xb8;
	[tilespmem:$0xCF00] =	vst v63  }
0x13c: {  	_ = 	snop  }
0x13d: {  	[tilespmem:s29], [sflag:$0x3] =	stream.indirect.gather [hbm4b:s3+s10], $0x20, s28, s10, $0xb8;
	[tilespmem:$0xCF00] =	vst v63  }
0x13e: {  	_ =	swait.ge [sflag:s12], $0x380  }
0x13f: {  	[sflag:s12] =	ssyncset.done $0x0  }
0x140: {  	s4 =	simm.s32 @!p1 $0x6;
	[sflag:s12] =	ssyncadd.s32 $0xFFFFFC80  }
0x141: {  	_ =	swait.ge @!p1 [sflag:s4], $0x6400  }
0x142: {  	s5 =	sld [smem:$0x7FA]  }
0x143: {  	s6 =	sld [smem:$0x7EF]  }
0x144: {  	s8 =	sld [smem:$0x7EC]  }
0x145: {  	s14 =	sld [smem:$0x7F8]  }
0x146: {  	s30 =	sld [smem:$0x7E9]  }
0x147: {  	s18 =	sld [smem:$0x7E7]  }
0x148: {  	s17 =	sld [smem:$0x7F1]  }
0x149: {  	s19 =	sld [smem:$0x7E8]  }
0x14a: {  	[sflag:s4] =	ssyncset.done @!p1 $0x0;
	s20 =	sld [smem:$0x7EA]  }
0x14b: {  	s21 =	simm.s32 $0x380;
	s28 =	sld [smem:$0x7EB];
	[sflag:s4] =	ssyncadd.s32 @!p1 $0xFFFF9C00  }
0x14c: {  	[tilespmem:s13], [sflag:$0x4] =	stream.indirect.gather [hbm4b:s3+s10], $0x20, s21, s10, $0xb8;
	[tilespmem:$0xCF00] =	vst v63  }
0x14d: {  	s16 =	sld [smem:$0x7F3]  }
0x14e: {  	[tilespmem:s19], [sflag:$0x4] =	stream.indirect.gather [hbm4b:s3+s10], $0x20, s18, s10, $0xb8;
	[tilespmem:$0xCF00] =	vst v63  }
0x14f: {  	s29 =	sld [smem:$0x7F2]  }
0x150: {  	[tilespmem:s20], [sflag:$0x4] =	stream.indirect.gather [hbm4b:s3+s10], $0x20, s30, s10, $0xb8;
	[tilespmem:$0xCF00] =	vst v63  }
0x151: {  	s4 =	sld [smem:$0x7F5]  }
0x152: {  	[tilespmem:s8], [sflag:$0x4] =	stream.indirect.gather [hbm4b:s3+s10], $0x20, s28, s10, $0xb8;
	[tilespmem:$0xCF00] =	vst v63  }
0x153: {  	s30 =	sld [smem:$0x7F4]  }
0x154: {  	[tilespmem:s17], [sflag:$0x4] =	stream.indirect.gather [hbm4b:s3+s10], $0x20, s6, s10, $0xb8;
	[tilespmem:$0xCF00] =	vst v63  }
0x155: {  	s28 =	sld [smem:$0x7F7]  }
0x156: {  	[tilespmem:s16], [sflag:$0x4] =	stream.indirect.gather [hbm4b:s3+s10], $0x20, s29, s10, $0xb8;
	[tilespmem:$0xCF00] =	vst v63  }
0x157: {  	s29 =	sld [smem:$0x7F9]  }
0x158: {  	[tilespmem:s4], [sflag:$0x4] =	stream.indirect.gather [hbm4b:s3+s10], $0x20, s30, s10, $0xb8;
	[tilespmem:$0xCF00] =	vst v63  }
0x159: {  	s30 =	sld [smem:$0x7FB]  }
0x15a: {  	[tilespmem:s14], [sflag:$0x4] =	stream.indirect.gather [hbm4b:s3+s10], $0x20, s28, s10, $0xb8;
	[tilespmem:$0xCF00] =	vst v63  }
0x15b: {  	s28 =	sld [smem:$0x7FC]  }
0x15c: {  	[tilespmem:s5], [sflag:$0x4] =	stream.indirect.gather [hbm4b:s3+s10], $0x20, s29, s10, $0xb8;
	[tilespmem:$0xCF00] =	vst v63  }
0x15d: {  	s29 =	sld [smem:$0x7FD]  }
0x15e: {  	[tilespmem:s28], [sflag:$0x4] =	stream.indirect.gather [hbm4b:s3+s10], $0x20, s30, s10, $0xb8;
	[tilespmem:$0xCF00] =	vst v63  }
0x15f: {  	s8 =	simm.s32 $0xA980  }
0x160: {  	[tilespmem:s8], [sflag:$0x4] =	stream.indirect.gather [hbm4b:s3+s10], $0x20, s29, s10, $0xb8;
	[tilespmem:$0xCF00] =	vst v63  }
0x161: {  	s15 =	simm.s32 $0xAFC0;
	s14 =	simm.s32 $0x5E8  }
0x162: {  	[tilespmem:s15], [sflag:$0x4] =	stream.indirect.gather [hbm4b:s3+s10], $0x20, s14, s10, $0xb8;
	[tilespmem:$0xCF00] =	vst v63  }
0x163: {  	s17 =	simm.s32 $0xB600;
	s16 =	simm.s32 $0x620  }
0x164: {  	[tilespmem:s17], [sflag:$0x4] =	stream.indirect.gather [hbm4b:s3+s10], $0x20, s16, s10, $0xb8;
	[tilespmem:$0xCF00] =	vst v63  }
0x165: {  	s18 =	simm.s32 $0x658;
	s19 =	simm.s32 $0xBC40  }
0x166: {  	[tilespmem:s19], [sflag:$0x4] =	stream.indirect.gather [hbm4b:s3+s10], $0x20, s18, s10, $0xb8;
	[tilespmem:$0xCF00] =	vst v63  }
0x167: {  	s22 =	simm.s32 $0xC280;
	s20 =	simm.s32 $0x690  }
0x168: {  	[tilespmem:s22], [sflag:$0x4] =	stream.indirect.gather [hbm4b:s3+s10], $0x20, s20, s10, $0xb8;
	[tilespmem:$0xCF00] =	vst v63  }
0x169: {  	s23 =	simm.s32 $0x6C8  }
0x16a: {  	[tilespmem:s24], [sflag:$0x4] =	stream.indirect.gather [hbm4b:s3+s10], $0x20, s23, s10, $0xb8;
	[tilespmem:$0xCF00] =	vst v63  }
0x16b: {  	_ =	swait.ge [sflag:s25], $0x640  }
0x16c: {  	[sflag:s25] =	ssyncset.done $0x0  }
0x16d: {  	[sflag:s25] =	ssyncadd.s32 $0xFFFFF9C0  }
0x16e: {  	_ =	swait.ge [sflag:s25], $0x640  }
0x16f: {  	[sflag:s25] =	ssyncset.done $0x0  }
0x170: {  	[sflag:s25] =	ssyncadd.s32 $0xFFFFF9C0  }
0x171: {  	_ =	swait.ge [sflag:s25], $0x640  }
0x172: {  	[sflag:s25] =	ssyncset.done $0x0  }
0x173: {  	[sflag:s25] =	ssyncadd.s32 $0xFFFFF9C0  }
0x174: {  	_ =	swait.ge [sflag:s25], $0x640  }
0x175: {  	[sflag:s25] =	ssyncset.done $0x0  }
0x176: {  	[sflag:s25] =	ssyncadd.s32 $0xFFFFF9C0  }
0x177: {  	_ =	swait.ge [sflag:s25], $0x640  }
0x178: {  	[sflag:s25] =	ssyncset.done $0x0  }
0x179: {  	[sflag:s25] =	ssyncadd.s32 $0xFFFFF9C0  }
0x17a: {  	_ =	swait.ge [sflag:s25], $0x640  }
0x17b: {  	[sflag:s25] =	ssyncset.done $0x0  }
0x17c: {  	[sflag:s25] =	ssyncadd.s32 $0xFFFFF9C0  }
0x17d: {  	_ =	swait.ge [sflag:s25], $0x640  }
0x17e: {  	[sflag:s25] =	ssyncset.done $0x0  }
0x17f: {  	[sflag:s25] =	ssyncadd.s32 $0xFFFFF9C0  }
0x180: {  	_ =	swait.ge [sflag:s25], $0x640  }
0x181: {  	[sflag:s25] =	ssyncset.done $0x0  }
0x182: {  	[sflag:s25] =	ssyncadd.s32 $0xFFFFF9C0  }
0x183: {  	_ =	swait.ge [sflag:s25], $0x640  }
0x184: {  	[sflag:s25] =	ssyncset.done $0x0  }
0x185: {  	[sflag:s25] =	ssyncadd.s32 $0xFFFFF9C0  }
0x186: {  	_ =	swait.ge [sflag:s25], $0x640  }
0x187: {  	[sflag:s25] =	ssyncset.done $0x0  }
0x188: {  	[sflag:s25] =	ssyncadd.s32 $0xFFFFF9C0  }
0x189: {  	_ =	swait.ge [sflag:s25], $0x640  }
0x18a: {  	[sflag:s25] =	ssyncset.done $0x0  }
0x18b: {  	[sflag:s25] =	ssyncadd.s32 $0xFFFFF9C0  }
0x18c: {  	_ =	swait.ge [sflag:s25], $0x640  }
0x18d: {  	[sflag:s25] =	ssyncset.done $0x0  }
0x18e: {  	[sflag:s25] =	ssyncadd.s32 $0xFFFFF9C0  }
0x18f: {  	_ =	swait.ge [sflag:s25], $0x640  }
0x190: {  	[sflag:s25] =	ssyncset.done $0x0  }
0x191: {  	[sflag:s25] =	ssyncadd.s32 $0xFFFFF9C0  }
0x192: {  	_ =	swait.ge [sflag:s25], $0x640  }
0x193: {  	[sflag:s25] =	ssyncset.done $0x0  }
0x194: {  	[sflag:s25] =	ssyncadd.s32 $0xFFFFF9C0  }
0x195: {  	_ =	swait.ge [sflag:s25], $0x640  }
0x196: {  	[sflag:s25] =	ssyncset.done $0x0  }
0x197: {  	[sflag:s25] =	ssyncadd.s32 $0xFFFFF9C0  }
0x198: {  	s1 =	sadd.s32 $0x1900, s1;
	_ =	swait.ge [sflag:s25], $0x640  }
0x199: {  	p1 =	seq.s32 s31, $0xD20;
	s4 =	rddreg [dreg:$0x4];
	[sflag:s25] =	ssyncset.done $0x0  }
0x19a: {  	s6 =	simm.s32 @!p1 $0x0;
	[sflag:s25] =	ssyncadd.s32 $0xFFFFF9C0;
	s4 =	sadd.s32 @!p1 s31, s4  }
0x19b: {  	[tilespmem:s6], [sflag:$0x1] =	stream.linear.gather @!p1 [hbm4b:s4+s6], $0x380, $0x38;
	[tilespmem:$0xCF00] =	vst v63  }
0x19c: {  	s30 =	sadd.s32 $0xFFFFF380, s1  }
0x19d: {  	[hbm4b:s30+s2] =	stream.linear.scatter [tilespmem:s11], [sflag:$0x5], $0x6400, $0x38;
	[tilespmem:$0xCF00] =	vst v63  }
0x19e: {  	_ =	swait.ge [sflag:s26], $0x640  }
0x19f: {  	[sflag:s26] =	ssyncset.done $0x0  }
0x1a0: {  	[sflag:s26] =	ssyncadd.s32 $0xFFFFF9C0  }
0x1a1: {  	_ =	swait.ge [sflag:s26], $0x640  }
0x1a2: {  	[sflag:s26] =	ssyncset.done $0x0  }
0x1a3: {  	[sflag:s26] =	ssyncadd.s32 $0xFFFFF9C0  }
0x1a4: {  	_ =	swait.ge [sflag:s26], $0x640  }
0x1a5: {  	[sflag:s26] =	ssyncset.done $0x0  }
0x1a6: {  	[sflag:s26] =	ssyncadd.s32 $0xFFFFF9C0  }
0x1a7: {  	_ =	swait.ge [sflag:s26], $0x640  }
0x1a8: {  	[sflag:s26] =	ssyncset.done $0x0  }
0x1a9: {  	[sflag:s26] =	ssyncadd.s32 $0xFFFFF9C0  }
0x1aa: {  	_ =	swait.ge [sflag:s26], $0x640  }
0x1ab: {  	[sflag:s26] =	ssyncset.done $0x0  }
0x1ac: {  	[sflag:s26] =	ssyncadd.s32 $0xFFFFF9C0  }
0x1ad: {  	_ =	swait.ge [sflag:s26], $0x640  }
0x1ae: {  	[sflag:s26] =	ssyncset.done $0x0  }
0x1af: {  	[sflag:s26] =	ssyncadd.s32 $0xFFFFF9C0  }
0x1b0: {  	_ =	swait.ge [sflag:s26], $0x640  }
0x1b1: {  	[sflag:s26] =	ssyncset.done $0x0  }
0x1b2: {  	[sflag:s26] =	ssyncadd.s32 $0xFFFFF9C0  }
0x1b3: {  	s0 =	sadd.s32 $0xE0, s0;
	_ =	swait.ge [sflag:s26], $0x640  }
0x1b4: {  	p0 =	sne.s32 s0, $0xE00;
	[sflag:s26] =	ssyncset.done $0x0  }
.Ltmp0:
0x1b5: {  	[sflag:s26] =	ssyncadd.s32 $0xFFFFF9C0;
	(pc) =	sbr.rel @p0 .LBB2_2-.Ltmp0, $4  }
0x1b6: {  	_ =	swait.ge [sflag:s26], $0x640  }
0x1b7: {  	[sflag:s26] =	ssyncset.done $0x0  }
0x1b8: {  	[sflag:s26] =	ssyncadd.s32 $0xFFFFF9C0  }
0x1b9: {  	s7 =	smov.u32 s1;
	_ =	swait.ge [sflag:s26], $0x640  }
0x1ba: {  	[sflag:s26] =	ssyncset.done $0x0  }
0x1bb: {  	[sflag:s26] =	ssyncadd.s32 $0xFFFFF9C0  }
0x1bc: {  	_ =	swait.ge [sflag:s26], $0x640  }
0x1bd: {  	[sflag:s26] =	ssyncset.done $0x0  }
0x1be: {  	[sflag:s26] =	ssyncadd.s32 $0xFFFFF9C0  }
0x1bf: {  	_ =	swait.ge [sflag:s26], $0x640  }
0x1c0: {  	[sflag:s26] =	ssyncset.done $0x0  }
0x1c1: {  	[sflag:s26] =	ssyncadd.s32 $0xFFFFF9C0  }
0x1c2: {  	_ =	swait.ge [sflag:s26], $0x640  }
0x1c3: {  	[sflag:s26] =	ssyncset.done $0x0  }
0x1c4: {  	[sflag:s26] =	ssyncadd.s32 $0xFFFFF9C0  }
0x1c5: {  	_ =	swait.ge [sflag:s26], $0x640  }
0x1c6: {  	[sflag:s26] =	ssyncset.done $0x0  }
0x1c7: {  	[sflag:s26] =	ssyncadd.s32 $0xFFFFF9C0  }
0x1c8: {  	_ =	swait.ge [sflag:s26], $0x640  }
0x1c9: {  	[sflag:s26] =	ssyncset.done $0x0  }
0x1ca: {  	[sflag:s26] =	ssyncadd.s32 $0xFFFFF9C0  }
0x1cb: {  	_ =	swait.ge [sflag:s26], $0x640  }
0x1cc: {  	s0 =	rddreg [dreg:$0x3];
	[sflag:s26] =	ssyncset.done $0x0  }
0x1cd: {  	s1 =	simm.s32 @!p1 $0x380;
	[sflag:s26] =	ssyncadd.s32 $0xFFFFF9C0;
	s0 =	sadd.s32 @!p1 s31, s0  }
0x1ce: {  	[tilespmem:s1], [sflag:$0x2] =	stream.linear.gather @!p1 [hbm4b:s0+s6], $0x380, $0x38;
	[tilespmem:$0xCF00] =	vst v63  }
0x1cf: {  	s29 =	simm.s32 $0x5  }
0x1d0: {  	[hbm4b:s7+s2] =	stream.linear.scatter [tilespmem:s13], [sflag:$0x6], $0x6400, $0x38;
	[tilespmem:$0xCF00] =	vst v63  }
0x1d1: {  	_ =	swait.ge [sflag:s29], $0x6400  }
0x1d2: {  	[sflag:s29] =	ssyncset.done $0x0  }
0x1d3: {  	s30 =	simm.s32 $0x6;
	[sflag:s29] =	ssyncadd.s32 $0xFFFF9C00  }
0x1d4: {  	_ =	swait.ge [sflag:s30], $0x6400  }
0x1d5: {  	s4 =	sld [smem:$0x7E3]  }
0x1d6: {  	s31 =	sld [smem:$0x7F0];
	_ =	sdelay $0x1  }
0x1d7: {  	s4 =	sadd.s32 $0x1, s4  }
0x1d8: {  	p0 =	sne.s32 s4, s31  }
.Ltmp1:
0x1d9: {  	_ = 	snop;
	(pc) =	sbr.rel @p0 .LBB2_1-.Ltmp1, $3  }
0x1da: {  	_ =	sdelay $0x1  }
0x1db: {  	[sflag:s30] =	ssyncset.done $0x0  }
0x1dc: {  	[sflag:s30] =	ssyncadd.s32 $0xFFFF9C00  }
0x1dd: {  	_ =	sfence.sel $0x180000  }
0x1de: {  	[bflag:$0x0] =	sbarrier.arrive $0xFFFF  }
0x1df: {  	_ =	strace $0x90000047  }
0x1e0: {  	s0 =	stileid.u32;
	[bflag:$0x2] =	sbarrier.arrive $0xFFFF  }
0x1e1: {  	p0 =	sne.s32 s0, $0x0;
	s0 =	rddreg [dreg:$0x2]  }
0x1e2: {  	s0 =	sadd.s32 @!p0 $0x100000, s0  }
0x1e3: {  	[sflag:s0] =	ssyncadd.tile.s32 @!p0 $0x1;
	_ =	shalt  }
.Lfunc_end2:
_tile_overlayer_lowered:
.L_overlay_start_2:
0x1e4: {  	(tag) =	ssettag $0x2  }
0x1e5: {  	s0 =	rddreg [dreg:$0x0];
	s2 =	stileid.u32  }
0x1e6: {  	s1 =	rddreg [dreg:$0x1];
	p0 =	sne.s32 s2, $0x0  }
0x1e7: {  	s3 =	rddreg [dreg:$0x2];
	[bflag:$0x3] =	sbarrier.arrive $0xFFFF;
	s2 =	simm.s32 @!p0 $0x1C07  }
0x1e8: {  	[timem:s3], [sflag:s2] =	dma.local @!p0 [hbm:s0], s1  }
0x1e9: {  	s0 =	simm.s32 @!p0 $0x7  }
0x1ea: {  	_ =	swait.ge @!p0 [sflag:s0], s1  }
0x1eb: {  	s1 =	ssub.s32 @!p0 $0x0, s1;
	[sflag:s0] =	ssyncset.done @!p0 $0x0  }
0x1ec: {  	[sflag:s0] =	ssyncadd.s32 @!p0 s1  }
0x1ed: {  	[bflag:$0x3] =	sbarrier.arrive $0xFFFF  }
0x1ee: {  	_ =	shalt  }

</sc_bundles>
